<compile_context>
chip_gen: v7x
topology: tpu7x:2x2x1
jax: 0.10.2.dev20260603
libtpu: 0.0.44.dev20260713+nightly
codegen_flags: <defaults>
</compile_context>

<pallas_src>
import dataclasses

import jax
import jax.numpy as jnp
from jax.experimental import pallas as pl
from jax.experimental.pallas import tpu as pltpu
from jax.experimental.pallas import tpu_sc as plsc

N = 4194304
F = 16
LANES = 16

TC_BLK = 262144
TC_CH = 1024
SC_BLOCK = 8192

N_TC = 9 * TC_BLK
N_SC = N - N_TC

_RECIP_CA = 1.0 / 420.0


def _sc_part(gs0, a1, A, rh, FGs):
    base = N_TC // SC_BLOCK
    mesh = plsc.VectorSubcoreMesh(core_axis_name="core",
                                  subcore_axis_name="subcore")
    cp = pltpu.CompilerParams()
    if "needs_layout_passes" in pltpu.CompilerParams.__dataclass_fields__:
        cp = dataclasses.replace(cp, needs_layout_passes=False)

    @pl.kernel(
        out_type=jax.ShapeDtypeStruct((N_SC,), jnp.float32),
        mesh=mesh,
        compiler_params=cp,
        scratch_types=[pltpu.VMEM((F,), jnp.float32),
                       pltpu.VMEM((F,), jnp.float32)],
    )
    def sc_kernel(gs0_hbm, a1_hbm, a_hbm, rh_hbm, fgs_hbm, out_hbm,
                  gs0_v, a1_v):
        pltpu.sync_copy(gs0_hbm, gs0_v)
        pltpu.sync_copy(a1_hbm, a1_v)
        a1_v[...] = a1_v[...] * _RECIP_CA

        def body(a_vmem, rh_vmem, fgs_vmem, out_vmem):
            @plsc.parallel_loop(0, SC_BLOCK, LANES, unroll=16)
            def _(c):
                sl = pl.ds(c, LANES)
                idx = fgs_vmem[sl]
                g = plsc.load_gather(gs0_v, [idx])
                a = plsc.load_gather(a1_v, [idx])
                out_vmem[sl] = g + a * (a_vmem[sl] * rh_vmem[sl])

        pltpu.emit_pipeline(
            body,
            grid=(N_SC // SC_BLOCK,),
            in_specs=[
                pl.BlockSpec((SC_BLOCK,), lambda i: (base + i,)),
                pl.BlockSpec((SC_BLOCK,), lambda i: (base + i,)),
                pl.BlockSpec((SC_BLOCK,), lambda i: (base + i,)),
            ],
            out_specs=[pl.BlockSpec((SC_BLOCK,), lambda i: (i,))],
            core_axis_name=("core", "subcore"),
            dimension_semantics=(pltpu.PARALLEL,),
        )(a_hbm, rh_hbm, fgs_hbm, out_hbm)

    return sc_kernel(gs0, a1, A, rh, FGs)


def _tc_body(gs0_ref, a1_ref, a_ref, rh_ref, fgs_ref, out_ref):
    tg = gs0_ref[...]
    ta = a1_ref[...]
    tgv = [jnp.full((TC_CH,), tg[f]) for f in range(F)]
    tav = [jnp.full((TC_CH,), ta[f]) for f in range(F)]

    @pl.loop(0, TC_BLK, step=TC_CH, unroll=8)
    def _(c):
        cs = pl.ds(c, TC_CH)
        idx = fgs_ref[cs]
        t = a_ref[cs] * rh_ref[cs] * _RECIP_CA
        b = [(idx & (1 << k)) != 0 for k in range(4)]
        g = [jnp.where(b[0], tgv[2 * i + 1], tgv[2 * i]) for i in range(8)]
        a = [jnp.where(b[0], tav[2 * i + 1], tav[2 * i]) for i in range(8)]
        for k in range(1, 4):
            g = [jnp.where(b[k], g[2 * i + 1], g[2 * i])
                 for i in range(len(g) // 2)]
            a = [jnp.where(b[k], a[2 * i + 1], a[2 * i])
                 for i in range(len(a) // 2)]
        out_ref[cs] = g[0] + a[0] * t


def _tc_part(gs0, a1, A, rh, FGs):
    return pl.pallas_call(
        _tc_body,
        out_shape=jax.ShapeDtypeStruct((N,), jnp.float32),
        grid=(N_TC // TC_BLK,),
        in_specs=[
            pl.BlockSpec((F,), lambda i: (0,)),
            pl.BlockSpec((F,), lambda i: (0,)),
            pl.BlockSpec((TC_BLK,), lambda i: (i,)),
            pl.BlockSpec((TC_BLK,), lambda i: (i,)),
            pl.BlockSpec((TC_BLK,), lambda i: (i,)),
        ],
        out_specs=pl.BlockSpec((TC_BLK,), lambda i: (i,)),
        compiler_params=pltpu.CompilerParams(
            dimension_semantics=("parallel",),
        ),
    )(gs0, a1, A, rh, FGs)


def kernel(gs0, a1, A, rh, FGs):
    sc_out = _sc_part(gs0, a1, A, rh, FGs)
    tc_out = _tc_part(gs0, a1, A, rh, FGs)
    return jax.lax.dynamic_update_slice(tc_out, sc_out, (N_TC,))

# --- scband reference (transcript-rebuilt; emitter-appended) ---
"""Pipeline reference for scband-bwb-42614665511520 (READ-ONLY COPY).

The authoritative reference and input builder live on the scoring server;
editing this copy changes nothing except your own understanding.
"""

import jax, jax.numpy as jnp
import numpy as np

N = 4194304
F = 16


def setup_inputs(seed: int = 0) -> dict:
    key = jax.random.key(seed)
    k1, k2, k3 = jax.random.split(key, 3)
    return {
        "gs0": jnp.ones((F,), dtype=jnp.float32),
        "a1": jnp.ones((F,), dtype=jnp.float32),
        "A": jax.random.uniform(k1, (N,), dtype=jnp.float32),
        "rh": jax.random.uniform(k2, (N,), dtype=jnp.float32),
        "FGs": jax.random.randint(k3, (N,), 0, F, dtype=jnp.int32),
    }


def reference(gs0, a1, A, rh, FGs):
    # Faithful translation of BWB.forward():
    #   gs0_e = self.gs0[self.FGs]; a1_e = self.a1[self.FGs]
    #   gs = gs0_e + a1_e * self.A * self.rh / self.Ca   (Ca = 420.0)
    Ca = jnp.float32(420.0)
    gs0_e = jnp.take(gs0, FGs, axis=0)
    a1_e = jnp.take(a1, FGs, axis=0)
    gs = gs0_e + a1_e * A * rh / Ca
    return gs

if __name__ == "__main__":
    import jax
    _d = setup_inputs()
    print(jax.jit(kernel)(*tuple(_d.values())))

</pallas_src>

<mosaic_0001>
#map = affine_map<(d0, d1) -> (0)>
module attributes {stable_mosaic.version = 14 : i64} {
  func.func @sc_kernel(%arg0: i32, %arg1: i32, %arg2: memref<16xf32, #tpu.memory_space<hbm>>, %arg3: memref<16xf32, #tpu.memory_space<hbm>>, %arg4: memref<4194304xf32, #tpu.memory_space<hbm>>, %arg5: memref<4194304xf32, #tpu.memory_space<hbm>>, %arg6: memref<4194304xi32, #tpu.memory_space<hbm>>, %arg7: memref<1835008xf32, #tpu.memory_space<hbm>>, %arg8: memref<16xf32, #tpu.memory_space<vmem>>, %arg9: memref<16xf32, #tpu.memory_space<vmem>>) attributes {dimension_semantics = [#tpu.dimension_semantics<core_parallel>, #tpu.dimension_semantics<subcore_parallel>], iteration_bounds = array<i64: 2, 16>, scalar_prefetch = 0 : i64, scratch_operands = 2 : i64, tpu.core_type = #tpu.core_type<sc_vector_subcore>, window_params = [{transform_indices = #map}, {transform_indices = #map}, {transform_indices = #map}, {transform_indices = #map}, {transform_indices = #map}, {transform_indices = #map}]} {
    "tpu.region"() ({
      %run_scoped3A = tpu.sem_alloc : memref<!tpu.dma_semaphore, #tpu.memory_space<semaphore_mem>>
      tpu.enqueue_dma source(%arg2 : memref<16xf32, #tpu.memory_space<hbm>>) target(%arg8 : memref<16xf32, #tpu.memory_space<vmem>>) target_semaphore(%run_scoped3A : memref<!tpu.dma_semaphore, #tpu.memory_space<semaphore_mem>>)
      tpu.wait_dma2 semaphore(%run_scoped3A : memref<!tpu.dma_semaphore, #tpu.memory_space<semaphore_mem>>) src(%arg2 : memref<16xf32, #tpu.memory_space<hbm>>) dst(%arg8 : memref<16xf32, #tpu.memory_space<vmem>>)
      tpu.yield
    }) : () -> ()
    "tpu.region"() ({
      %run_scoped3A = tpu.sem_alloc : memref<!tpu.dma_semaphore, #tpu.memory_space<semaphore_mem>>
      tpu.enqueue_dma source(%arg3 : memref<16xf32, #tpu.memory_space<hbm>>) target(%arg9 : memref<16xf32, #tpu.memory_space<vmem>>) target_semaphore(%run_scoped3A : memref<!tpu.dma_semaphore, #tpu.memory_space<semaphore_mem>>)
      tpu.wait_dma2 semaphore(%run_scoped3A : memref<!tpu.dma_semaphore, #tpu.memory_space<semaphore_mem>>) src(%arg3 : memref<16xf32, #tpu.memory_space<hbm>>) dst(%arg9 : memref<16xf32, #tpu.memory_space<vmem>>)
      tpu.yield
    }) : () -> ()
    %get3A = arith.constant 0 : index
    %get3A_0 = tpu.vector_load %arg9[%get3A] {strides = array<i32>} : memref<16xf32, #tpu.memory_space<vmem>>, vector<16xf32>,
    %mul3A = arith.constant 0.00238095247 : f32
    %mul3A_1 = vector.broadcast %mul3A : f32 to vector<16xf32>
    %mul3A_2 = arith.mulf %get3A_0, %mul3A_1 : vector<16xf32>
    %swap3A = arith.constant 0 : index
    %swap3A_3 = tpu.vector_load %arg9[%swap3A] {strides = array<i32>} : memref<16xf32, #tpu.memory_space<vmem>>, vector<16xf32>,
    tpu.vector_store %arg9[%swap3A], %mul3A_2 {strides = array<i32>} : memref<16xf32, #tpu.memory_space<vmem>>, vector<16xf32>,
    %mul3A_4 = arith.constant 1 : i32
    %mul3A_5 = arith.muli %arg1, %mul3A_4 : i32
    %add3A = arith.constant 0 : i32
    %add3A_6 = arith.addi %add3A, %mul3A_5 : i32
    %mul3A_7 = arith.constant 16 : i32
    %mul3A_8 = arith.muli %arg0, %mul3A_7 : i32
    %add3A_9 = arith.addi %add3A_6, %mul3A_8 : i32
    %mul3A_10 = arith.constant 7 : i32
    %mul3A_11 = arith.muli %add3A_9, %mul3A_10 : i32
    "tpu.region"() ({
      %run_scoped3A = memref.alloca() : memref<16384xf32, #tpu.memory_space<vmem>>
      %run_scoped3A_12 = tpu.sem_alloc : memref<2x!tpu.dma_semaphore, #tpu.memory_space<semaphore_mem>>
      %run_scoped3A_13 = memref.alloca() : memref<16384xf32, #tpu.memory_space<vmem>>
      %run_scoped3A_14 = tpu.sem_alloc : memref<2x!tpu.dma_semaphore, #tpu.memory_space<semaphore_mem>>
      %run_scoped3A_15 = memref.alloca() : memref<16384xi32, #tpu.memory_space<vmem>>
      %run_scoped3A_16 = tpu.sem_alloc : memref<2x!tpu.dma_semaphore, #tpu.memory_space<semaphore_mem>>
      %run_scoped3A_17 = memref.alloca() : memref<16384xf32, #tpu.memory_space<vmem>>
      %run_scoped3A_18 = tpu.sem_alloc : memref<2x!tpu.dma_semaphore, #tpu.memory_space<semaphore_mem>>
      %add3A_19 = arith.constant 0 : i32
      %add3A_20 = arith.addi %add3A_19, %mul3A_11 : i32
      %select_n3A = arith.constant true
      %select_n3A_21 = arith.constant 0 : i32
      %select_n3A_22 = arith.constant -1 : i32
      %select_n3A_23 = arith.select %select_n3A, %select_n3A_22, %select_n3A_21 : i32
      %eq3A = arith.constant -1 : i32
      %eq3A_24 = arith.cmpi eq, %select_n3A_23, %eq3A : i32
      %select_n3A_25 = arith.constant 6 : i32
      %select_n3A_26 = arith.select %eq3A_24, %select_n3A_25, %select_n3A_23 : i32
      %add3A_27 = arith.addi %select_n3A_26, %mul3A_11 : i32
      %select_n3A_28 = arith.constant true
      %select_n3A_29 = arith.constant 0 : i32
      %select_n3A_30 = arith.constant 1 : i32
      %select_n3A_31 = arith.select %select_n3A_28, %select_n3A_30, %select_n3A_29 : i32
      %eq3A_32 = arith.constant 7 : i32
      %eq3A_33 = arith.cmpi eq, %select_n3A_31, %eq3A_32 : i32
      %select_n3A_34 = arith.constant 0 : i32
      %select_n3A_35 = arith.select %eq3A_33, %select_n3A_34, %select_n3A_31 : i32
      %add3A_36 = arith.addi %select_n3A_35, %mul3A_11 : i32
      %add3A_37 = arith.constant 1 : i32
      %add3A_38 = arith.addi %select_n3A_35, %add3A_37 : i32
      %select_n3A_39 = arith.constant true
      %select_n3A_40 = arith.select %select_n3A_39, %add3A_38, %select_n3A_35 : i32
      %eq3A_41 = arith.constant 7 : i32
      %eq3A_42 = arith.cmpi eq, %select_n3A_40, %eq3A_41 : i32
      %select_n3A_43 = arith.constant 0 : i32
      %select_n3A_44 = arith.select %eq3A_42, %select_n3A_43, %select_n3A_40 : i32
      %add3A_45 = arith.addi %select_n3A_44, %mul3A_11 : i32
      "tpu.trace_start"() <{level = 10 : i32, message = "ep_initialize_0"}> : () -> ()
      %rem3A = arith.constant 0 : i32
      %rem3A_46 = arith.constant 2 : i32
      %rem3A_47 = arith.remui %rem3A, %rem3A_46 : i32
      %add3A_48 = arith.constant 288 : i32
      %add3A_49 = arith.addi %add3A_48, %add3A_20 : i32
      %mul3A_50 = arith.constant 8192 : i32
      %mul3A_51 = arith.muli %mul3A_50, %add3A_49 : i32
      %mul3A_52 = arith.constant 8192 : i32
      %mul3A_53 = arith.muli %rem3A_47, %mul3A_52 : i32
      %add3A_54 = arith.constant 0 : i32
      %add3A_55 = arith.addi %mul3A_53, %add3A_54 : i32
      %dma_start3A = tpu.memref_slice %run_scoped3A[%add3A_55] : memref<16384xf32, #tpu.memory_space<vmem>> -> memref<8192xf32, #tpu.memory_space<vmem>>
      %dma_start3A_56 = tpu.memref_slice %arg4[%mul3A_51] : memref<4194304xf32, #tpu.memory_space<hbm>> -> memref<8192xf32, #tpu.memory_space<hbm>>
      %dma_start3A_57 = tpu.memref_slice %run_scoped3A_12[%rem3A_47] : memref<2x!tpu.dma_semaphore, #tpu.memory_space<semaphore_mem>> -> memref<1x!tpu.dma_semaphore, #tpu.memory_space<semaphore_mem>>
      %dma_start3A_58 = tpu.memref_squeeze %dma_start3A_57 : memref<1x!tpu.dma_semaphore, #tpu.memory_space<semaphore_mem>> -> memref<!tpu.dma_semaphore, #tpu.memory_space<semaphore_mem>>
      %dma_start3A_59 = tpu.memref_slice %run_scoped3A[%add3A_55] : memref<16384xf32, #tpu.memory_space<vmem>> -> memref<8192xf32, #tpu.memory_space<vmem>>
      %dma_start3A_60 = tpu.memref_slice %arg4[%mul3A_51] : memref<4194304xf32, #tpu.memory_space<hbm>> -> memref<8192xf32, #tpu.memory_space<hbm>>
      tpu.enqueue_dma source(%dma_start3A_60 : memref<8192xf32, #tpu.memory_space<hbm>>) target(%dma_start3A_59 : memref<8192xf32, #tpu.memory_space<vmem>>) target_semaphore(%dma_start3A_58 : memref<!tpu.dma_semaphore, #tpu.memory_space<semaphore_mem>>)
      %add3A_61 = arith.constant 0 : i32
      %add3A_62 = arith.constant 1 : i32
      %add3A_63 = arith.addi %add3A_61, %add3A_62 : i32
      %select_n3A_64 = arith.constant true
      %select_n3A_65 = arith.constant 0 : i32
      %select_n3A_66 = arith.select %select_n3A_64, %add3A_63, %select_n3A_65 : i32
      %rem3A_67 = arith.constant 0 : i32
      %rem3A_68 = arith.constant 2 : i32
      %rem3A_69 = arith.remui %rem3A_67, %rem3A_68 : i32
      %add3A_70 = arith.constant 288 : i32
      %add3A_71 = arith.addi %add3A_70, %add3A_20 : i32
      %mul3A_72 = arith.constant 8192 : i32
      %mul3A_73 = arith.muli %mul3A_72, %add3A_71 : i32
      %mul3A_74 = arith.constant 8192 : i32
      %mul3A_75 = arith.muli %rem3A_69, %mul3A_74 : i32
      %add3A_76 = arith.constant 0 : i32
      %add3A_77 = arith.addi %mul3A_75, %add3A_76 : i32
      %dma_start3A_78 = tpu.memref_slice %run_scoped3A_13[%add3A_77] : memref<16384xf32, #tpu.memory_space<vmem>> -> memref<8192xf32, #tpu.memory_space<vmem>>
      %dma_start3A_79 = tpu.memref_slice %arg5[%mul3A_73] : memref<4194304xf32, #tpu.memory_space<hbm>> -> memref<8192xf32, #tpu.memory_space<hbm>>
      %dma_start3A_80 = tpu.memref_slice %run_scoped3A_14[%rem3A_69] : memref<2x!tpu.dma_semaphore, #tpu.memory_space<semaphore_mem>> -> memref<1x!tpu.dma_semaphore, #tpu.memory_space<semaphore_mem>>
      %dma_start3A_81 = tpu.memref_squeeze %dma_start3A_80 : memref<1x!tpu.dma_semaphore, #tpu.memory_space<semaphore_mem>> -> memref<!tpu.dma_semaphore, #tpu.memory_space<semaphore_mem>>
      %dma_start3A_82 = tpu.memref_slice %run_scoped3A_13[%add3A_77] : memref<16384xf32, #tpu.memory_space<vmem>> -> memref<8192xf32, #tpu.memory_space<vmem>>
      %dma_start3A_83 = tpu.memref_slice %arg5[%mul3A_73] : memref<4194304xf32, #tpu.memory_space<hbm>> -> memref<8192xf32, #tpu.memory_space<hbm>>
      tpu.enqueue_dma source(%dma_start3A_83 : memref<8192xf32, #tpu.memory_space<hbm>>) target(%dma_start3A_82 : memref<8192xf32, #tpu.memory_space<vmem>>) target_semaphore(%dma_start3A_81 : memref<!tpu.dma_semaphore, #tpu.memory_space<semaphore_mem>>)
      %add3A_84 = arith.constant 0 : i32
      %add3A_85 = arith.constant 1 : i32
      %add3A_86 = arith.addi %add3A_84, %add3A_85 : i32
      %select_n3A_87 = arith.constant true
      %select_n3A_88 = arith.constant 0 : i32
      %select_n3A_89 = arith.select %select_n3A_87, %add3A_86, %select_n3A_88 : i32
      %rem3A_90 = arith.constant 0 : i32
      %rem3A_91 = arith.constant 2 : i32
      %rem3A_92 = arith.remui %rem3A_90, %rem3A_91 : i32
      %add3A_93 = arith.constant 288 : i32
      %add3A_94 = arith.addi %add3A_93, %add3A_20 : i32
      %mul3A_95 = arith.constant 8192 : i32
      %mul3A_96 = arith.muli %mul3A_95, %add3A_94 : i32
      %mul3A_97 = arith.constant 8192 : i32
      %mul3A_98 = arith.muli %rem3A_92, %mul3A_97 : i32
      %add3A_99 = arith.constant 0 : i32
      %add3A_100 = arith.addi %mul3A_98, %add3A_99 : i32
      %dma_start3A_101 = tpu.memref_slice %run_scoped3A_15[%add3A_100] : memref<16384xi32, #tpu.memory_space<vmem>> -> memref<8192xi32, #tpu.memory_space<vmem>>
      %dma_start3A_102 = tpu.memref_slice %arg6[%mul3A_96] : memref<4194304xi32, #tpu.memory_space<hbm>> -> memref<8192xi32, #tpu.memory_space<hbm>>
      %dma_start3A_103 = tpu.memref_slice %run_scoped3A_16[%rem3A_92] : memref<2x!tpu.dma_semaphore, #tpu.memory_space<semaphore_mem>> -> memref<1x!tpu.dma_semaphore, #tpu.memory_space<semaphore_mem>>
      %dma_start3A_104 = tpu.memref_squeeze %dma_start3A_103 : memref<1x!tpu.dma_semaphore, #tpu.memory_space<semaphore_mem>> -> memref<!tpu.dma_semaphore, #tpu.memory_space<semaphore_mem>>
      %dma_start3A_105 = tpu.memref_slice %run_scoped3A_15[%add3A_100] : memref<16384xi32, #tpu.memory_space<vmem>> -> memref<8192xi32, #tpu.memory_space<vmem>>
      %dma_start3A_106 = tpu.memref_slice %arg6[%mul3A_96] : memref<4194304xi32, #tpu.memory_space<hbm>> -> memref<8192xi32, #tpu.memory_space<hbm>>
      tpu.enqueue_dma source(%dma_start3A_106 : memref<8192xi32, #tpu.memory_space<hbm>>) target(%dma_start3A_105 : memref<8192xi32, #tpu.memory_space<vmem>>) target_semaphore(%dma_start3A_104 : memref<!tpu.dma_semaphore, #tpu.memory_space<semaphore_mem>>)
      %add3A_107 = arith.constant 0 : i32
      %add3A_108 = arith.constant 1 : i32
      %add3A_109 = arith.addi %add3A_107, %add3A_108 : i32
      %select_n3A_110 = arith.constant true
      %select_n3A_111 = arith.constant 0 : i32
      %select_n3A_112 = arith.select %select_n3A_110, %add3A_109, %select_n3A_111 : i32
      "tpu.trace_stop"() : () -> ()
      %scan3A = arith.constant 0 : i32
      %scan3A_113 = arith.constant 0 : i32
      %scan3A_114 = arith.constant 0 : i32
      %scan3A_115 = arith.constant 0 : i32
      %scan3A_116 = arith.constant 0 : i32
      %scan3A_117 = arith.constant 0 : i32
      %scan3A_118 = arith.constant 0 : i32
      %scan3A_119 = arith.constant 7 : i32
      %scan3A_120 = arith.addi %scan3A_118, %scan3A_119 : i32
      %scan3A_121 = arith.constant 1 : i32
      %scan3A_122:9 = scf.for %scan3A_172 = %scan3A_118 to %scan3A_120 step %scan3A_121 iter_args(%scan3A_173 = %select_n3A_66, %scan3A_174 = %scan3A, %scan3A_175 = %select_n3A_89, %scan3A_176 = %scan3A_113, %scan3A_177 = %select_n3A_112, %scan3A_178 = %scan3A_114, %scan3A_179 = %scan3A_115, %scan3A_180 = %scan3A_116, %scan3A_181 = %scan3A_117) -> (i32, i32, i32, i32, i32, i32, i32, i32, i32)  : i32 {
        %eq3A_182 = arith.constant 0 : i32
        %eq3A_183 = arith.cmpi eq, %scan3A_172, %eq3A_182 : i32
        %eq3A_184 = arith.constant 6 : i32
        %eq3A_185 = arith.cmpi eq, %scan3A_172, %eq3A_184 : i32
        %add3A_186 = arith.addi %scan3A_181, %mul3A_11 : i32
        %sub3A_187 = arith.constant 1 : i32
        %sub3A_188 = arith.subi %scan3A_181, %sub3A_187 : i32
        %select_n3A_189 = arith.constant true
        %select_n3A_190 = arith.select %select_n3A_189, %sub3A_188, %scan3A_181 : i32
        %eq3A_191 = arith.constant -1 : i32
        %eq3A_192 = arith.cmpi eq, %select_n3A_190, %eq3A_191 : i32
        %select_n3A_193 = arith.constant 6 : i32
        %select_n3A_194 = arith.select %eq3A_192, %select_n3A_193, %select_n3A_190 : i32
        %add3A_195 = arith.addi %select_n3A_194, %mul3A_11 : i32
        %add3A_196 = arith.constant 1 : i32
        %add3A_197 = arith.addi %scan3A_181, %add3A_196 : i32
        %select_n3A_198 = arith.constant true
        %select_n3A_199 = arith.select %select_n3A_198, %add3A_197, %scan3A_181 : i32
        %eq3A_200 = arith.constant 7 : i32
        %eq3A_201 = arith.cmpi eq, %select_n3A_199, %eq3A_200 : i32
        %select_n3A_202 = arith.constant 0 : i32
        %select_n3A_203 = arith.select %eq3A_201, %select_n3A_202, %select_n3A_199 : i32
        %add3A_204 = arith.addi %select_n3A_203, %mul3A_11 : i32
        %add3A_205 = arith.constant 1 : i32
        %add3A_206 = arith.addi %select_n3A_203, %add3A_205 : i32
        %select_n3A_207 = arith.constant true
        %select_n3A_208 = arith.select %select_n3A_207, %add3A_206, %select_n3A_203 : i32
        %eq3A_209 = arith.constant 7 : i32
        %eq3A_210 = arith.cmpi eq, %select_n3A_208, %eq3A_209 : i32
        %select_n3A_211 = arith.constant 0 : i32
        %select_n3A_212 = arith.select %eq3A_210, %select_n3A_211, %select_n3A_208 : i32
        %add3A_213 = arith.addi %select_n3A_212, %mul3A_11 : i32
        %add3A_214 = arith.constant 288 : i32
        %add3A_215 = arith.addi %add3A_214, %add3A_186 : i32
        %add3A_216 = arith.constant 288 : i32
        %add3A_217 = arith.addi %add3A_216, %add3A_204 : i32
        %ne3A = arith.cmpi ne, %add3A_215, %add3A_217 : i32
        %or3A = arith.constant false
        %or3A_218 = arith.ori %or3A, %ne3A : i1
        %ge3A = arith.constant 6 : i32
        %ge3A_219 = arith.cmpi sge, %scan3A_172, %ge3A : i32
        %not3A = arith.constant true
        %not3A_220 = arith.xori %ge3A_219, %not3A : i1
        %and3A = arith.andi %or3A_218, %not3A_220 : i1
        %convert_element_type3A = arith.extui %and3A : i1 to i32
        %cond3A = arith.constant 0 : i32
        %cond3A_221 = arith.cmpi ne, %convert_element_type3A, %cond3A : i32
        scf.if %cond3A_221 {
          "tpu.trace_start"() <{level = 10 : i32, message = "ep_copy_in"}> : () -> ()
          %rem3A_484 = arith.constant 2 : i32
          %rem3A_485 = arith.remui %scan3A_173, %rem3A_484 : i32
          %add3A_486 = arith.constant 288 : i32
          %add3A_487 = arith.addi %add3A_486, %add3A_204 : i32
          %mul3A_488 = arith.constant 8192 : i32
          %mul3A_489 = arith.muli %mul3A_488, %add3A_487 : i32
          %mul3A_490 = arith.constant 8192 : i32
          %mul3A_491 = arith.muli %rem3A_485, %mul3A_490 : i32
          %add3A_492 = arith.constant 0 : i32
          %add3A_493 = arith.addi %mul3A_491, %add3A_492 : i32
          %dma_start3A_494 = tpu.memref_slice %run_scoped3A[%add3A_493] : memref<16384xf32, #tpu.memory_space<vmem>> -> memref<8192xf32, #tpu.memory_space<vmem>>
          %dma_start3A_495 = tpu.memref_slice %arg4[%mul3A_489] : memref<4194304xf32, #tpu.memory_space<hbm>> -> memref<8192xf32, #tpu.memory_space<hbm>>
          %dma_start3A_496 = tpu.memref_slice %run_scoped3A_12[%rem3A_485] : memref<2x!tpu.dma_semaphore, #tpu.memory_space<semaphore_mem>> -> memref<1x!tpu.dma_semaphore, #tpu.memory_space<semaphore_mem>>
          %dma_start3A_497 = tpu.memref_squeeze %dma_start3A_496 : memref<1x!tpu.dma_semaphore, #tpu.memory_space<semaphore_mem>> -> memref<!tpu.dma_semaphore, #tpu.memory_space<semaphore_mem>>
          %dma_start3A_498 = tpu.memref_slice %run_scoped3A[%add3A_493] : memref<16384xf32, #tpu.memory_space<vmem>> -> memref<8192xf32, #tpu.memory_space<vmem>>
          %dma_start3A_499 = tpu.memref_slice %arg4[%mul3A_489] : memref<4194304xf32, #tpu.memory_space<hbm>> -> memref<8192xf32, #tpu.memory_space<hbm>>
          tpu.enqueue_dma source(%dma_start3A_499 : memref<8192xf32, #tpu.memory_space<hbm>>) target(%dma_start3A_498 : memref<8192xf32, #tpu.memory_space<vmem>>) target_semaphore(%dma_start3A_497 : memref<!tpu.dma_semaphore, #tpu.memory_space<semaphore_mem>>)
          "tpu.trace_stop"() : () -> ()
        } else {
        }
        %and3A_222 = arith.constant true
        %and3A_223 = arith.andi %and3A, %and3A_222 : i1
        %add3A_224 = arith.constant 1 : i32
        %add3A_225 = arith.addi %scan3A_173, %add3A_224 : i32
        %select_n3A_226 = arith.select %and3A_223, %add3A_225, %scan3A_173 : i32
        %add3A_227 = arith.constant 288 : i32
        %add3A_228 = arith.addi %add3A_227, %add3A_186 : i32
        %add3A_229 = arith.constant 288 : i32
        %add3A_230 = arith.addi %add3A_229, %add3A_204 : i32
        %ne3A_231 = arith.cmpi ne, %add3A_228, %add3A_230 : i32
        %or3A_232 = arith.constant false
        %or3A_233 = arith.ori %or3A_232, %ne3A_231 : i1
        %ge3A_234 = arith.constant 6 : i32
        %ge3A_235 = arith.cmpi sge, %scan3A_172, %ge3A_234 : i32
        %not3A_236 = arith.constant true
        %not3A_237 = arith.xori %ge3A_235, %not3A_236 : i1
        %and3A_238 = arith.andi %or3A_233, %not3A_237 : i1
        %convert_element_type3A_239 = arith.extui %and3A_238 : i1 to i32
        %cond3A_240 = arith.constant 0 : i32
        %cond3A_241 = arith.cmpi ne, %convert_element_type3A_239, %cond3A_240 : i32
        scf.if %cond3A_241 {
          "tpu.trace_start"() <{level = 10 : i32, message = "ep_copy_in"}> : () -> ()
          %rem3A_484 = arith.constant 2 : i32
          %rem3A_485 = arith.remui %scan3A_175, %rem3A_484 : i32
          %add3A_486 = arith.constant 288 : i32
          %add3A_487 = arith.addi %add3A_486, %add3A_204 : i32
          %mul3A_488 = arith.constant 8192 : i32
          %mul3A_489 = arith.muli %mul3A_488, %add3A_487 : i32
          %mul3A_490 = arith.constant 8192 : i32
          %mul3A_491 = arith.muli %rem3A_485, %mul3A_490 : i32
          %add3A_492 = arith.constant 0 : i32
          %add3A_493 = arith.addi %mul3A_491, %add3A_492 : i32
          %dma_start3A_494 = tpu.memref_slice %run_scoped3A_13[%add3A_493] : memref<16384xf32, #tpu.memory_space<vmem>> -> memref<8192xf32, #tpu.memory_space<vmem>>
          %dma_start3A_495 = tpu.memref_slice %arg5[%mul3A_489] : memref<4194304xf32, #tpu.memory_space<hbm>> -> memref<8192xf32, #tpu.memory_space<hbm>>
          %dma_start3A_496 = tpu.memref_slice %run_scoped3A_14[%rem3A_485] : memref<2x!tpu.dma_semaphore, #tpu.memory_space<semaphore_mem>> -> memref<1x!tpu.dma_semaphore, #tpu.memory_space<semaphore_mem>>
          %dma_start3A_497 = tpu.memref_squeeze %dma_start3A_496 : memref<1x!tpu.dma_semaphore, #tpu.memory_space<semaphore_mem>> -> memref<!tpu.dma_semaphore, #tpu.memory_space<semaphore_mem>>
          %dma_start3A_498 = tpu.memref_slice %run_scoped3A_13[%add3A_493] : memref<16384xf32, #tpu.memory_space<vmem>> -> memref<8192xf32, #tpu.memory_space<vmem>>
          %dma_start3A_499 = tpu.memref_slice %arg5[%mul3A_489] : memref<4194304xf32, #tpu.memory_space<hbm>> -> memref<8192xf32, #tpu.memory_space<hbm>>
          tpu.enqueue_dma source(%dma_start3A_499 : memref<8192xf32, #tpu.memory_space<hbm>>) target(%dma_start3A_498 : memref<8192xf32, #tpu.memory_space<vmem>>) target_semaphore(%dma_start3A_497 : memref<!tpu.dma_semaphore, #tpu.memory_space<semaphore_mem>>)
          "tpu.trace_stop"() : () -> ()
        } else {
        }
        %and3A_242 = arith.constant true
        %and3A_243 = arith.andi %and3A_238, %and3A_242 : i1
        %add3A_244 = arith.constant 1 : i32
        %add3A_245 = arith.addi %scan3A_175, %add3A_244 : i32
        %select_n3A_246 = arith.select %and3A_243, %add3A_245, %scan3A_175 : i32
        %add3A_247 = arith.constant 288 : i32
        %add3A_248 = arith.addi %add3A_247, %add3A_186 : i32
        %add3A_249 = arith.constant 288 : i32
        %add3A_250 = arith.addi %add3A_249, %add3A_204 : i32
        %ne3A_251 = arith.cmpi ne, %add3A_248, %add3A_250 : i32
        %or3A_252 = arith.constant false
        %or3A_253 = arith.ori %or3A_252, %ne3A_251 : i1
        %ge3A_254 = arith.constant 6 : i32
        %ge3A_255 = arith.cmpi sge, %scan3A_172, %ge3A_254 : i32
        %not3A_256 = arith.constant true
        %not3A_257 = arith.xori %ge3A_255, %not3A_256 : i1
        %and3A_258 = arith.andi %or3A_253, %not3A_257 : i1
        %convert_element_type3A_259 = arith.extui %and3A_258 : i1 to i32
        %cond3A_260 = arith.constant 0 : i32
        %cond3A_261 = arith.cmpi ne, %convert_element_type3A_259, %cond3A_260 : i32
        scf.if %cond3A_261 {
          "tpu.trace_start"() <{level = 10 : i32, message = "ep_copy_in"}> : () -> ()
          %rem3A_484 = arith.constant 2 : i32
          %rem3A_485 = arith.remui %scan3A_177, %rem3A_484 : i32
          %add3A_486 = arith.constant 288 : i32
          %add3A_487 = arith.addi %add3A_486, %add3A_204 : i32
          %mul3A_488 = arith.constant 8192 : i32
          %mul3A_489 = arith.muli %mul3A_488, %add3A_487 : i32
          %mul3A_490 = arith.constant 8192 : i32
          %mul3A_491 = arith.muli %rem3A_485, %mul3A_490 : i32
          %add3A_492 = arith.constant 0 : i32
          %add3A_493 = arith.addi %mul3A_491, %add3A_492 : i32
          %dma_start3A_494 = tpu.memref_slice %run_scoped3A_15[%add3A_493] : memref<16384xi32, #tpu.memory_space<vmem>> -> memref<8192xi32, #tpu.memory_space<vmem>>
          %dma_start3A_495 = tpu.memref_slice %arg6[%mul3A_489] : memref<4194304xi32, #tpu.memory_space<hbm>> -> memref<8192xi32, #tpu.memory_space<hbm>>
          %dma_start3A_496 = tpu.memref_slice %run_scoped3A_16[%rem3A_485] : memref<2x!tpu.dma_semaphore, #tpu.memory_space<semaphore_mem>> -> memref<1x!tpu.dma_semaphore, #tpu.memory_space<semaphore_mem>>
          %dma_start3A_497 = tpu.memref_squeeze %dma_start3A_496 : memref<1x!tpu.dma_semaphore, #tpu.memory_space<semaphore_mem>> -> memref<!tpu.dma_semaphore, #tpu.memory_space<semaphore_mem>>
          %dma_start3A_498 = tpu.memref_slice %run_scoped3A_15[%add3A_493] : memref<16384xi32, #tpu.memory_space<vmem>> -> memref<8192xi32, #tpu.memory_space<vmem>>
          %dma_start3A_499 = tpu.memref_slice %arg6[%mul3A_489] : memref<4194304xi32, #tpu.memory_space<hbm>> -> memref<8192xi32, #tpu.memory_space<hbm>>
          tpu.enqueue_dma source(%dma_start3A_499 : memref<8192xi32, #tpu.memory_space<hbm>>) target(%dma_start3A_498 : memref<8192xi32, #tpu.memory_space<vmem>>) target_semaphore(%dma_start3A_497 : memref<!tpu.dma_semaphore, #tpu.memory_space<semaphore_mem>>)
          "tpu.trace_stop"() : () -> ()
        } else {
        }
        %and3A_262 = arith.constant true
        %and3A_263 = arith.andi %and3A_258, %and3A_262 : i1
        %add3A_264 = arith.constant 1 : i32
        %add3A_265 = arith.addi %scan3A_177, %add3A_264 : i32
        %select_n3A_266 = arith.select %and3A_263, %add3A_265, %scan3A_177 : i32
        %ne3A_267 = arith.cmpi ne, %add3A_186, %add3A_204 : i32
        %or3A_268 = arith.constant false
        %or3A_269 = arith.ori %or3A_268, %ne3A_267 : i1
        %ge3A_270 = arith.constant 6 : i32
        %ge3A_271 = arith.cmpi sge, %scan3A_172, %ge3A_270 : i32
        %not3A_272 = arith.constant true
        %not3A_273 = arith.xori %ge3A_271, %not3A_272 : i1
        %and3A_274 = arith.andi %or3A_269, %not3A_273 : i1
        %add3A_275 = arith.constant 288 : i32
        %add3A_276 = arith.addi %add3A_275, %add3A_186 : i32
        %add3A_277 = arith.constant 288 : i32
        %add3A_278 = arith.addi %add3A_277, %add3A_195 : i32
        %ne3A_279 = arith.cmpi ne, %add3A_276, %add3A_278 : i32
        %or3A_280 = arith.constant false
        %or3A_281 = arith.ori %or3A_280, %ne3A_279 : i1
        %or3A_282 = arith.ori %or3A_281, %eq3A_183 : i1
        %convert_element_type3A_283 = arith.extui %or3A_282 : i1 to i32
        %cond3A_284 = arith.constant 0 : i32
        %cond3A_285 = arith.cmpi ne, %convert_element_type3A_283, %cond3A_284 : i32
        scf.if %cond3A_285 {
          "tpu.trace_start"() <{level = 10 : i32, message = "ep_wait_in"}> : () -> ()
          %add3A_484 = arith.constant 288 : i32
          %add3A_485 = arith.addi %add3A_484, %add3A_186 : i32
          %mul3A_486 = arith.constant 8192 : i32
          %mul3A_487 = arith.muli %mul3A_486, %add3A_485 : i32
          %rem3A_488 = arith.constant 2 : i32
          %rem3A_489 = arith.remui %scan3A_174, %rem3A_488 : i32
          %mul3A_490 = arith.constant 8192 : i32
          %mul3A_491 = arith.muli %rem3A_489, %mul3A_490 : i32
          %add3A_492 = arith.constant 0 : i32
          %add3A_493 = arith.addi %mul3A_491, %add3A_492 : i32
          %dma_wait3A_494 = tpu.memref_slice %run_scoped3A[%add3A_493] : memref<16384xf32, #tpu.memory_space<vmem>> -> memref<8192xf32, #tpu.memory_space<vmem>>
          %dma_wait3A_495 = tpu.memref_slice %arg4[%mul3A_487] : memref<4194304xf32, #tpu.memory_space<hbm>> -> memref<8192xf32, #tpu.memory_space<hbm>>
          %dma_wait3A_496 = tpu.memref_slice %run_scoped3A_12[%rem3A_489] : memref<2x!tpu.dma_semaphore, #tpu.memory_space<semaphore_mem>> -> memref<1x!tpu.dma_semaphore, #tpu.memory_space<semaphore_mem>>
          %dma_wait3A_497 = tpu.memref_squeeze %dma_wait3A_496 : memref<1x!tpu.dma_semaphore, #tpu.memory_space<semaphore_mem>> -> memref<!tpu.dma_semaphore, #tpu.memory_space<semaphore_mem>>
          %dma_wait3A_498 = tpu.memref_slice %run_scoped3A[%add3A_493] : memref<16384xf32, #tpu.memory_space<vmem>> -> memref<8192xf32, #tpu.memory_space<vmem>>
          %dma_wait3A_499 = tpu.memref_slice %arg4[%mul3A_487] : memref<4194304xf32, #tpu.memory_space<hbm>> -> memref<8192xf32, #tpu.memory_space<hbm>>
          tpu.wait_dma2 semaphore(%dma_wait3A_497 : memref<!tpu.dma_semaphore, #tpu.memory_space<semaphore_mem>>) src(%dma_wait3A_499 : memref<8192xf32, #tpu.memory_space<hbm>>) dst(%dma_wait3A_498 : memref<8192xf32, #tpu.memory_space<vmem>>)
          "tpu.trace_stop"() : () -> ()
        } else {
        }
        %add3A_286 = arith.constant 288 : i32
        %add3A_287 = arith.addi %add3A_286, %add3A_186 : i32
        %add3A_288 = arith.constant 288 : i32
        %add3A_289 = arith.addi %add3A_288, %add3A_195 : i32
        %ne3A_290 = arith.cmpi ne, %add3A_287, %add3A_289 : i32
        %or3A_291 = arith.constant false
        %or3A_292 = arith.ori %or3A_291, %ne3A_290 : i1
        %or3A_293 = arith.ori %or3A_292, %eq3A_183 : i1
        %convert_element_type3A_294 = arith.extui %or3A_293 : i1 to i32
        %cond3A_295 = arith.constant 0 : i32
        %cond3A_296 = arith.cmpi ne, %convert_element_type3A_294, %cond3A_295 : i32
        scf.if %cond3A_296 {
          "tpu.trace_start"() <{level = 10 : i32, message = "ep_wait_in"}> : () -> ()
          %add3A_484 = arith.constant 288 : i32
          %add3A_485 = arith.addi %add3A_484, %add3A_186 : i32
          %mul3A_486 = arith.constant 8192 : i32
          %mul3A_487 = arith.muli %mul3A_486, %add3A_485 : i32
          %rem3A_488 = arith.constant 2 : i32
          %rem3A_489 = arith.remui %scan3A_176, %rem3A_488 : i32
          %mul3A_490 = arith.constant 8192 : i32
          %mul3A_491 = arith.muli %rem3A_489, %mul3A_490 : i32
          %add3A_492 = arith.constant 0 : i32
          %add3A_493 = arith.addi %mul3A_491, %add3A_492 : i32
          %dma_wait3A_494 = tpu.memref_slice %run_scoped3A_13[%add3A_493] : memref<16384xf32, #tpu.memory_space<vmem>> -> memref<8192xf32, #tpu.memory_space<vmem>>
          %dma_wait3A_495 = tpu.memref_slice %arg5[%mul3A_487] : memref<4194304xf32, #tpu.memory_space<hbm>> -> memref<8192xf32, #tpu.memory_space<hbm>>
          %dma_wait3A_496 = tpu.memref_slice %run_scoped3A_14[%rem3A_489] : memref<2x!tpu.dma_semaphore, #tpu.memory_space<semaphore_mem>> -> memref<1x!tpu.dma_semaphore, #tpu.memory_space<semaphore_mem>>
          %dma_wait3A_497 = tpu.memref_squeeze %dma_wait3A_496 : memref<1x!tpu.dma_semaphore, #tpu.memory_space<semaphore_mem>> -> memref<!tpu.dma_semaphore, #tpu.memory_space<semaphore_mem>>
          %dma_wait3A_498 = tpu.memref_slice %run_scoped3A_13[%add3A_493] : memref<16384xf32, #tpu.memory_space<vmem>> -> memref<8192xf32, #tpu.memory_space<vmem>>
          %dma_wait3A_499 = tpu.memref_slice %arg5[%mul3A_487] : memref<4194304xf32, #tpu.memory_space<hbm>> -> memref<8192xf32, #tpu.memory_space<hbm>>
          tpu.wait_dma2 semaphore(%dma_wait3A_497 : memref<!tpu.dma_semaphore, #tpu.memory_space<semaphore_mem>>) src(%dma_wait3A_499 : memref<8192xf32, #tpu.memory_space<hbm>>) dst(%dma_wait3A_498 : memref<8192xf32, #tpu.memory_space<vmem>>)
          "tpu.trace_stop"() : () -> ()
        } else {
        }
        %add3A_297 = arith.constant 288 : i32
        %add3A_298 = arith.addi %add3A_297, %add3A_186 : i32
        %add3A_299 = arith.constant 288 : i32
        %add3A_300 = arith.addi %add3A_299, %add3A_195 : i32
        %ne3A_301 = arith.cmpi ne, %add3A_298, %add3A_300 : i32
        %or3A_302 = arith.constant false
        %or3A_303 = arith.ori %or3A_302, %ne3A_301 : i1
        %or3A_304 = arith.ori %or3A_303, %eq3A_183 : i1
        %convert_element_type3A_305 = arith.extui %or3A_304 : i1 to i32
        %cond3A_306 = arith.constant 0 : i32
        %cond3A_307 = arith.cmpi ne, %convert_element_type3A_305, %cond3A_306 : i32
        scf.if %cond3A_307 {
          "tpu.trace_start"() <{level = 10 : i32, message = "ep_wait_in"}> : () -> ()
          %add3A_484 = arith.constant 288 : i32
          %add3A_485 = arith.addi %add3A_484, %add3A_186 : i32
          %mul3A_486 = arith.constant 8192 : i32
          %mul3A_487 = arith.muli %mul3A_486, %add3A_485 : i32
          %rem3A_488 = arith.constant 2 : i32
          %rem3A_489 = arith.remui %scan3A_178, %rem3A_488 : i32
          %mul3A_490 = arith.constant 8192 : i32
          %mul3A_491 = arith.muli %rem3A_489, %mul3A_490 : i32
          %add3A_492 = arith.constant 0 : i32
          %add3A_493 = arith.addi %mul3A_491, %add3A_492 : i32
          %dma_wait3A_494 = tpu.memref_slice %run_scoped3A_15[%add3A_493] : memref<16384xi32, #tpu.memory_space<vmem>> -> memref<8192xi32, #tpu.memory_space<vmem>>
          %dma_wait3A_495 = tpu.memref_slice %arg6[%mul3A_487] : memref<4194304xi32, #tpu.memory_space<hbm>> -> memref<8192xi32, #tpu.memory_space<hbm>>
          %dma_wait3A_496 = tpu.memref_slice %run_scoped3A_16[%rem3A_489] : memref<2x!tpu.dma_semaphore, #tpu.memory_space<semaphore_mem>> -> memref<1x!tpu.dma_semaphore, #tpu.memory_space<semaphore_mem>>
          %dma_wait3A_497 = tpu.memref_squeeze %dma_wait3A_496 : memref<1x!tpu.dma_semaphore, #tpu.memory_space<semaphore_mem>> -> memref<!tpu.dma_semaphore, #tpu.memory_space<semaphore_mem>>
          %dma_wait3A_498 = tpu.memref_slice %run_scoped3A_15[%add3A_493] : memref<16384xi32, #tpu.memory_space<vmem>> -> memref<8192xi32, #tpu.memory_space<vmem>>
          %dma_wait3A_499 = tpu.memref_slice %arg6[%mul3A_487] : memref<4194304xi32, #tpu.memory_space<hbm>> -> memref<8192xi32, #tpu.memory_space<hbm>>
          tpu.wait_dma2 semaphore(%dma_wait3A_497 : memref<!tpu.dma_semaphore, #tpu.memory_space<semaphore_mem>>) src(%dma_wait3A_499 : memref<8192xi32, #tpu.memory_space<hbm>>) dst(%dma_wait3A_498 : memref<8192xi32, #tpu.memory_space<vmem>>)
          "tpu.trace_stop"() : () -> ()
        } else {
        }
        %ne3A_308 = arith.cmpi ne, %add3A_186, %add3A_195 : i32
        %or3A_309 = arith.constant false
        %or3A_310 = arith.ori %or3A_309, %ne3A_308 : i1
        %or3A_311 = arith.ori %or3A_310, %eq3A_183 : i1
        %convert_element_type3A_312 = arith.extui %or3A_311 : i1 to i32
        %cond3A_313 = arith.constant 0 : i32
        %cond3A_314 = arith.cmpi ne, %convert_element_type3A_312, %cond3A_313 : i32
        scf.if %cond3A_314 {
        } else {
        }
        %rem3A_315 = arith.constant 2 : i32
        %rem3A_316 = arith.remui %scan3A_174, %rem3A_315 : i32
        %mul3A_317 = arith.constant 8192 : i32
        %mul3A_318 = arith.muli %rem3A_316, %mul3A_317 : i32
        %rem3A_319 = arith.constant 2 : i32
        %rem3A_320 = arith.remui %scan3A_176, %rem3A_319 : i32
        %mul3A_321 = arith.constant 8192 : i32
        %mul3A_322 = arith.muli %rem3A_320, %mul3A_321 : i32
        %rem3A_323 = arith.constant 2 : i32
        %rem3A_324 = arith.remui %scan3A_178, %rem3A_323 : i32
        %mul3A_325 = arith.constant 8192 : i32
        %mul3A_326 = arith.muli %rem3A_324, %mul3A_325 : i32
        %rem3A_327 = arith.constant 2 : i32
        %rem3A_328 = arith.remui %scan3A_179, %rem3A_327 : i32
        %mul3A_329 = arith.constant 8192 : i32
        %mul3A_330 = arith.muli %rem3A_328, %mul3A_329 : i32
        %parallel_loop3A = arith.constant 0 : i32
        %parallel_loop3A_331 = arith.constant 8192 : i32
        %parallel_loop3A_332 = arith.constant 16 : i32
        "tpu.trace_start"() <{level = 10 : i32, message = "ep_run_kernel"}> : () -> ()
        scf.for %parallel_loop3A_484 = %parallel_loop3A to %parallel_loop3A_331 step %parallel_loop3A_332  : i32 {
          %parallel_loop3A_485 = tpu.memref_slice %run_scoped3A_15[%mul3A_326] : memref<16384xi32, #tpu.memory_space<vmem>> -> memref<8192xi32, #tpu.memory_space<vmem>>
          %parallel_loop3A_486 = arith.index_cast %parallel_loop3A_484 : i32 to index
          %parallel_loop3A_487 = tpu.vector_load %parallel_loop3A_485[%parallel_loop3A_486] {strides = array<i32>} : memref<8192xi32, #tpu.memory_space<vmem>>, vector<16xi32>,
          %parallel_loop3A_488 = tpu.vector_load_idx %arg8[%parallel_loop3A_487] : memref<16xf32, #tpu.memory_space<vmem>>[vector<16xi32>], vector<16xf32>,
          %parallel_loop3A_489 = tpu.vector_load_idx %arg9[%parallel_loop3A_487] : memref<16xf32, #tpu.memory_space<vmem>>[vector<16xi32>], vector<16xf32>,
          %parallel_loop3A_490 = tpu.memref_slice %run_scoped3A[%mul3A_318] : memref<16384xf32, #tpu.memory_space<vmem>> -> memref<8192xf32, #tpu.memory_space<vmem>>
          %parallel_loop3A_491 = arith.index_cast %parallel_loop3A_484 : i32 to index
          %parallel_loop3A_492 = tpu.vector_load %parallel_loop3A_490[%parallel_loop3A_491] {strides = array<i32>} : memref<8192xf32, #tpu.memory_space<vmem>>, vector<16xf32>,
          %parallel_loop3A_493 = tpu.memref_slice %run_scoped3A_13[%mul3A_322] : memref<16384xf32, #tpu.memory_space<vmem>> -> memref<8192xf32, #tpu.memory_space<vmem>>
          %parallel_loop3A_494 = arith.index_cast %parallel_loop3A_484 : i32 to index
          %parallel_loop3A_495 = tpu.vector_load %parallel_loop3A_493[%parallel_loop3A_494] {strides = array<i32>} : memref<8192xf32, #tpu.memory_space<vmem>>, vector<16xf32>,
          %parallel_loop3A_496 = arith.mulf %parallel_loop3A_492, %parallel_loop3A_495 : vector<16xf32>
          %parallel_loop3A_497 = arith.mulf %parallel_loop3A_489, %parallel_loop3A_496 : vector<16xf32>
          %parallel_loop3A_498 = arith.addf %parallel_loop3A_488, %parallel_loop3A_497 : vector<16xf32>
          %parallel_loop3A_499 = tpu.memref_slice %run_scoped3A_17[%mul3A_330] : memref<16384xf32, #tpu.memory_space<vmem>> -> memref<8192xf32, #tpu.memory_space<vmem>>
          %parallel_loop3A_500 = arith.index_cast %parallel_loop3A_484 : i32 to index
          %parallel_loop3A_501 = tpu.vector_load %parallel_loop3A_499[%parallel_loop3A_500] {strides = array<i32>} : memref<8192xf32, #tpu.memory_space<vmem>>, vector<16xf32>,
          tpu.vector_store %parallel_loop3A_499[%parallel_loop3A_500], %parallel_loop3A_498 {strides = array<i32>} : memref<8192xf32, #tpu.memory_space<vmem>>, vector<16xf32>,
        } {sc.loop_unroll_factor = 16 : i64, sc.parallel_access}
        "tpu.trace_stop"() : () -> ()
        %add3A_333 = arith.constant 288 : i32
        %add3A_334 = arith.addi %add3A_333, %add3A_186 : i32
        %add3A_335 = arith.constant 288 : i32
        %add3A_336 = arith.addi %add3A_335, %add3A_204 : i32
        %ne3A_337 = arith.cmpi ne, %add3A_334, %add3A_336 : i32
        %or3A_338 = arith.constant false
        %or3A_339 = arith.ori %or3A_338, %ne3A_337 : i1
        %or3A_340 = arith.ori %or3A_339, %eq3A_185 : i1
        %convert_element_type3A_341 = arith.extui %or3A_340 : i1 to i32
        %cond3A_342 = arith.constant 0 : i32
        %cond3A_343 = arith.cmpi ne, %convert_element_type3A_341, %cond3A_342 : i32
        scf.if %cond3A_343 {
        } else {
        }
        %and3A_344 = arith.constant false
        %and3A_345 = arith.andi %or3A_340, %and3A_344 : i1
        %add3A_346 = arith.constant 288 : i32
        %add3A_347 = arith.addi %add3A_346, %add3A_186 : i32
        %add3A_348 = arith.constant 288 : i32
        %add3A_349 = arith.addi %add3A_348, %add3A_204 : i32
        %ne3A_350 = arith.cmpi ne, %add3A_347, %add3A_349 : i32
        %or3A_351 = arith.constant false
        %or3A_352 = arith.ori %or3A_351, %ne3A_350 : i1
        %or3A_353 = arith.ori %or3A_352, %eq3A_185 : i1
        %convert_element_type3A_354 = arith.extui %or3A_353 : i1 to i32
        %cond3A_355 = arith.constant 0 : i32
        %cond3A_356 = arith.cmpi ne, %convert_element_type3A_354, %cond3A_355 : i32
        scf.if %cond3A_356 {
        } else {
        }
        %and3A_357 = arith.constant false
        %and3A_358 = arith.andi %or3A_353, %and3A_357 : i1
        %add3A_359 = arith.constant 288 : i32
        %add3A_360 = arith.addi %add3A_359, %add3A_186 : i32
        %add3A_361 = arith.constant 288 : i32
        %add3A_362 = arith.addi %add3A_361, %add3A_204 : i32
        %ne3A_363 = arith.cmpi ne, %add3A_360, %add3A_362 : i32
        %or3A_364 = arith.constant false
        %or3A_365 = arith.ori %or3A_364, %ne3A_363 : i1
        %or3A_366 = arith.ori %or3A_365, %eq3A_185 : i1
        %convert_element_type3A_367 = arith.extui %or3A_366 : i1 to i32
        %cond3A_368 = arith.constant 0 : i32
        %cond3A_369 = arith.cmpi ne, %convert_element_type3A_367, %cond3A_368 : i32
        scf.if %cond3A_369 {
        } else {
        }
        %and3A_370 = arith.constant false
        %and3A_371 = arith.andi %or3A_366, %and3A_370 : i1
        %ne3A_372 = arith.cmpi ne, %add3A_186, %add3A_204 : i32
        %or3A_373 = arith.constant false
        %or3A_374 = arith.ori %or3A_373, %ne3A_372 : i1
        %or3A_375 = arith.ori %or3A_374, %eq3A_185 : i1
        %convert_element_type3A_376 = arith.extui %or3A_375 : i1 to i32
        %cond3A_377 = arith.constant 0 : i32
        %cond3A_378 = arith.cmpi ne, %convert_element_type3A_376, %cond3A_377 : i32
        scf.if %cond3A_378 {
          "tpu.trace_start"() <{level = 10 : i32, message = "ep_copy_out"}> : () -> ()
          %rem3A_484 = arith.constant 2 : i32
          %rem3A_485 = arith.remui %scan3A_179, %rem3A_484 : i32
          %mul3A_486 = arith.constant 8192 : i32
          %mul3A_487 = arith.muli %mul3A_486, %add3A_186 : i32
          %mul3A_488 = arith.constant 8192 : i32
          %mul3A_489 = arith.muli %rem3A_485, %mul3A_488 : i32
          %add3A_490 = arith.constant 0 : i32
          %add3A_491 = arith.addi %mul3A_489, %add3A_490 : i32
          %dma_start3A_492 = tpu.memref_slice %run_scoped3A_17[%add3A_491] : memref<16384xf32, #tpu.memory_space<vmem>> -> memref<8192xf32, #tpu.memory_space<vmem>>
          %dma_start3A_493 = tpu.memref_slice %arg7[%mul3A_487] : memref<1835008xf32, #tpu.memory_space<hbm>> -> memref<8192xf32, #tpu.memory_space<hbm>>
          %dma_start3A_494 = tpu.memref_slice %run_scoped3A_18[%rem3A_485] : memref<2x!tpu.dma_semaphore, #tpu.memory_space<semaphore_mem>> -> memref<1x!tpu.dma_semaphore, #tpu.memory_space<semaphore_mem>>
          %dma_start3A_495 = tpu.memref_squeeze %dma_start3A_494 : memref<1x!tpu.dma_semaphore, #tpu.memory_space<semaphore_mem>> -> memref<!tpu.dma_semaphore, #tpu.memory_space<semaphore_mem>>
          %dma_start3A_496 = tpu.memref_slice %arg7[%mul3A_487] : memref<1835008xf32, #tpu.memory_space<hbm>> -> memref<8192xf32, #tpu.memory_space<hbm>>
          %dma_start3A_497 = tpu.memref_slice %run_scoped3A_17[%add3A_491] : memref<16384xf32, #tpu.memory_space<vmem>> -> memref<8192xf32, #tpu.memory_space<vmem>>
          tpu.enqueue_dma source(%dma_start3A_497 : memref<8192xf32, #tpu.memory_space<vmem>>) target(%dma_start3A_496 : memref<8192xf32, #tpu.memory_space<hbm>>) target_semaphore(%dma_start3A_495 : memref<!tpu.dma_semaphore, #tpu.memory_space<semaphore_mem>>)
          "tpu.trace_stop"() : () -> ()
        } else {
        }
        %and3A_379 = arith.constant true
        %and3A_380 = arith.andi %or3A_375, %and3A_379 : i1
        %add3A_381 = arith.constant 1 : i32
        %add3A_382 = arith.addi %scan3A_179, %add3A_381 : i32
        %select_n3A_383 = arith.select %and3A_380, %add3A_382, %scan3A_179 : i32
        %add3A_384 = arith.constant 288 : i32
        %add3A_385 = arith.addi %add3A_384, %add3A_186 : i32
        %add3A_386 = arith.constant 288 : i32
        %add3A_387 = arith.addi %add3A_386, %add3A_195 : i32
        %ne3A_388 = arith.cmpi ne, %add3A_385, %add3A_387 : i32
        %or3A_389 = arith.constant false
        %or3A_390 = arith.ori %or3A_389, %ne3A_388 : i1
        %not3A_391 = arith.constant true
        %not3A_392 = arith.xori %eq3A_183, %not3A_391 : i1
        %and3A_393 = arith.andi %or3A_390, %not3A_392 : i1
        %convert_element_type3A_394 = arith.extui %and3A_393 : i1 to i32
        %cond3A_395 = arith.constant 0 : i32
        %cond3A_396 = arith.cmpi ne, %convert_element_type3A_394, %cond3A_395 : i32
        scf.if %cond3A_396 {
        } else {
        }
        %and3A_397 = arith.constant false
        %and3A_398 = arith.andi %and3A_393, %and3A_397 : i1
        %add3A_399 = arith.constant 288 : i32
        %add3A_400 = arith.addi %add3A_399, %add3A_186 : i32
        %add3A_401 = arith.constant 288 : i32
        %add3A_402 = arith.addi %add3A_401, %add3A_195 : i32
        %ne3A_403 = arith.cmpi ne, %add3A_400, %add3A_402 : i32
        %or3A_404 = arith.constant false
        %or3A_405 = arith.ori %or3A_404, %ne3A_403 : i1
        %not3A_406 = arith.constant true
        %not3A_407 = arith.xori %eq3A_183, %not3A_406 : i1
        %and3A_408 = arith.andi %or3A_405, %not3A_407 : i1
        %convert_element_type3A_409 = arith.extui %and3A_408 : i1 to i32
        %cond3A_410 = arith.constant 0 : i32
        %cond3A_411 = arith.cmpi ne, %convert_element_type3A_409, %cond3A_410 : i32
        scf.if %cond3A_411 {
        } else {
        }
        %and3A_412 = arith.constant false
        %and3A_413 = arith.andi %and3A_408, %and3A_412 : i1
        %add3A_414 = arith.constant 288 : i32
        %add3A_415 = arith.addi %add3A_414, %add3A_186 : i32
        %add3A_416 = arith.constant 288 : i32
        %add3A_417 = arith.addi %add3A_416, %add3A_195 : i32
        %ne3A_418 = arith.cmpi ne, %add3A_415, %add3A_417 : i32
        %or3A_419 = arith.constant false
        %or3A_420 = arith.ori %or3A_419, %ne3A_418 : i1
        %not3A_421 = arith.constant true
        %not3A_422 = arith.xori %eq3A_183, %not3A_421 : i1
        %and3A_423 = arith.andi %or3A_420, %not3A_422 : i1
        %convert_element_type3A_424 = arith.extui %and3A_423 : i1 to i32
        %cond3A_425 = arith.constant 0 : i32
        %cond3A_426 = arith.cmpi ne, %convert_element_type3A_424, %cond3A_425 : i32
        scf.if %cond3A_426 {
        } else {
        }
        %and3A_427 = arith.constant false
        %and3A_428 = arith.andi %and3A_423, %and3A_427 : i1
        %ne3A_429 = arith.cmpi ne, %add3A_186, %add3A_195 : i32
        %or3A_430 = arith.constant false
        %or3A_431 = arith.ori %or3A_430, %ne3A_429 : i1
        %not3A_432 = arith.constant true
        %not3A_433 = arith.xori %eq3A_183, %not3A_432 : i1
        %and3A_434 = arith.andi %or3A_431, %not3A_433 : i1
        %convert_element_type3A_435 = arith.extui %and3A_434 : i1 to i32
        %cond3A_436 = arith.constant 0 : i32
        %cond3A_437 = arith.cmpi ne, %convert_element_type3A_435, %cond3A_436 : i32
        scf.if %cond3A_437 {
          "tpu.trace_start"() <{level = 10 : i32, message = "ep_wait_out"}> : () -> ()
          %rem3A_484 = arith.constant 2 : i32
          %rem3A_485 = arith.remui %scan3A_180, %rem3A_484 : i32
          %mul3A_486 = arith.constant 8192 : i32
          %mul3A_487 = arith.muli %mul3A_486, %add3A_195 : i32
          %mul3A_488 = arith.constant 8192 : i32
          %mul3A_489 = arith.muli %rem3A_485, %mul3A_488 : i32
          %add3A_490 = arith.constant 0 : i32
          %add3A_491 = arith.addi %mul3A_489, %add3A_490 : i32
          %dma_wait3A_492 = tpu.memref_slice %run_scoped3A_17[%add3A_491] : memref<16384xf32, #tpu.memory_space<vmem>> -> memref<8192xf32, #tpu.memory_space<vmem>>
          %dma_wait3A_493 = tpu.memref_slice %arg7[%mul3A_487] : memref<1835008xf32, #tpu.memory_space<hbm>> -> memref<8192xf32, #tpu.memory_space<hbm>>
          %dma_wait3A_494 = tpu.memref_slice %run_scoped3A_18[%rem3A_485] : memref<2x!tpu.dma_semaphore, #tpu.memory_space<semaphore_mem>> -> memref<1x!tpu.dma_semaphore, #tpu.memory_space<semaphore_mem>>
          %dma_wait3A_495 = tpu.memref_squeeze %dma_wait3A_494 : memref<1x!tpu.dma_semaphore, #tpu.memory_space<semaphore_mem>> -> memref<!tpu.dma_semaphore, #tpu.memory_space<semaphore_mem>>
          %dma_wait3A_496 = tpu.memref_slice %arg7[%mul3A_487] : memref<1835008xf32, #tpu.memory_space<hbm>> -> memref<8192xf32, #tpu.memory_space<hbm>>
          %dma_wait3A_497 = tpu.memref_slice %run_scoped3A_17[%add3A_491] : memref<16384xf32, #tpu.memory_space<vmem>> -> memref<8192xf32, #tpu.memory_space<vmem>>
          tpu.wait_dma2 semaphore(%dma_wait3A_495 : memref<!tpu.dma_semaphore, #tpu.memory_space<semaphore_mem>>) src(%dma_wait3A_497 : memref<8192xf32, #tpu.memory_space<vmem>>) dst(%dma_wait3A_496 : memref<8192xf32, #tpu.memory_space<hbm>>)
          "tpu.trace_stop"() : () -> ()
        } else {
        }
        %and3A_438 = arith.constant true
        %and3A_439 = arith.andi %and3A_434, %and3A_438 : i1
        %add3A_440 = arith.constant 1 : i32
        %add3A_441 = arith.addi %scan3A_180, %add3A_440 : i32
        %select_n3A_442 = arith.select %and3A_439, %add3A_441, %scan3A_180 : i32
        %add3A_443 = arith.constant 288 : i32
        %add3A_444 = arith.addi %add3A_443, %add3A_186 : i32
        %add3A_445 = arith.constant 288 : i32
        %add3A_446 = arith.addi %add3A_445, %add3A_204 : i32
        %ne3A_447 = arith.cmpi ne, %add3A_444, %add3A_446 : i32
        %or3A_448 = arith.constant false
        %or3A_449 = arith.ori %or3A_448, %ne3A_447 : i1
        %or3A_450 = arith.ori %or3A_449, %eq3A_185 : i1
        %add3A_451 = arith.constant 1 : i32
        %add3A_452 = arith.addi %scan3A_174, %add3A_451 : i32
        %select_n3A_453 = arith.select %or3A_450, %add3A_452, %scan3A_174 : i32
        %add3A_454 = arith.constant 288 : i32
        %add3A_455 = arith.addi %add3A_454, %add3A_186 : i32
        %add3A_456 = arith.constant 288 : i32
        %add3A_457 = arith.addi %add3A_456, %add3A_204 : i32
        %ne3A_458 = arith.cmpi ne, %add3A_455, %add3A_457 : i32
        %or3A_459 = arith.constant false
        %or3A_460 = arith.ori %or3A_459, %ne3A_458 : i1
        %or3A_461 = arith.ori %or3A_460, %eq3A_185 : i1
        %add3A_462 = arith.constant 1 : i32
        %add3A_463 = arith.addi %scan3A_176, %add3A_462 : i32
        %select_n3A_464 = arith.select %or3A_461, %add3A_463, %scan3A_176 : i32
        %add3A_465 = arith.constant 288 : i32
        %add3A_466 = arith.addi %add3A_465, %add3A_186 : i32
        %add3A_467 = arith.constant 288 : i32
        %add3A_468 = arith.addi %add3A_467, %add3A_204 : i32
        %ne3A_469 = arith.cmpi ne, %add3A_466, %add3A_468 : i32
        %or3A_470 = arith.constant false
        %or3A_471 = arith.ori %or3A_470, %ne3A_469 : i1
        %or3A_472 = arith.ori %or3A_471, %eq3A_185 : i1
        %add3A_473 = arith.constant 1 : i32
        %add3A_474 = arith.addi %scan3A_178, %add3A_473 : i32
        %select_n3A_475 = arith.select %or3A_472, %add3A_474, %scan3A_178 : i32
        %add3A_476 = arith.constant 1 : i32
        %add3A_477 = arith.addi %scan3A_181, %add3A_476 : i32
        %select_n3A_478 = arith.constant true
        %select_n3A_479 = arith.select %select_n3A_478, %add3A_477, %scan3A_181 : i32
        %eq3A_480 = arith.constant 7 : i32
        %eq3A_481 = arith.cmpi eq, %select_n3A_479, %eq3A_480 : i32
        %select_n3A_482 = arith.constant 0 : i32
        %select_n3A_483 = arith.select %eq3A_481, %select_n3A_482, %select_n3A_479 : i32
        scf.yield %select_n3A_226, %select_n3A_453, %select_n3A_246, %select_n3A_464, %select_n3A_266, %select_n3A_475, %select_n3A_383, %select_n3A_442, %select_n3A_483 : i32, i32, i32, i32, i32, i32, i32, i32, i32
      }
      %scan3A_123 = arith.constant 7 : i32
      %sub3A = arith.constant 1 : i32
      %sub3A_124 = arith.subi %scan3A_122#8, %sub3A : i32
      %select_n3A_125 = arith.constant true
      %select_n3A_126 = arith.select %select_n3A_125, %sub3A_124, %scan3A_122#8 : i32
      %eq3A_127 = arith.constant -1 : i32
      %eq3A_128 = arith.cmpi eq, %select_n3A_126, %eq3A_127 : i32
      %select_n3A_129 = arith.constant 6 : i32
      %select_n3A_130 = arith.select %eq3A_128, %select_n3A_129, %select_n3A_126 : i32
      %add3A_131 = arith.addi %select_n3A_130, %mul3A_11 : i32
      %sub3A_132 = arith.constant 1 : i32
      %sub3A_133 = arith.subi %select_n3A_130, %sub3A_132 : i32
      %select_n3A_134 = arith.constant true
      %select_n3A_135 = arith.select %select_n3A_134, %sub3A_133, %select_n3A_130 : i32
      %eq3A_136 = arith.constant -1 : i32
      %eq3A_137 = arith.cmpi eq, %select_n3A_135, %eq3A_136 : i32
      %select_n3A_138 = arith.constant 6 : i32
      %select_n3A_139 = arith.select %eq3A_137, %select_n3A_138, %select_n3A_135 : i32
      %add3A_140 = arith.addi %select_n3A_139, %mul3A_11 : i32
      %add3A_141 = arith.constant 1 : i32
      %add3A_142 = arith.addi %select_n3A_130, %add3A_141 : i32
      %select_n3A_143 = arith.constant true
      %select_n3A_144 = arith.select %select_n3A_143, %add3A_142, %select_n3A_130 : i32
      %eq3A_145 = arith.constant 7 : i32
      %eq3A_146 = arith.cmpi eq, %select_n3A_144, %eq3A_145 : i32
      %select_n3A_147 = arith.constant 0 : i32
      %select_n3A_148 = arith.select %eq3A_146, %select_n3A_147, %select_n3A_144 : i32
      %add3A_149 = arith.addi %select_n3A_148, %mul3A_11 : i32
      %add3A_150 = arith.constant 1 : i32
      %add3A_151 = arith.addi %select_n3A_148, %add3A_150 : i32
      %select_n3A_152 = arith.constant true
      %select_n3A_153 = arith.select %select_n3A_152, %add3A_151, %select_n3A_148 : i32
      %eq3A_154 = arith.constant 7 : i32
      %eq3A_155 = arith.cmpi eq, %select_n3A_153, %eq3A_154 : i32
      %select_n3A_156 = arith.constant 0 : i32
      %select_n3A_157 = arith.select %eq3A_155, %select_n3A_156, %select_n3A_153 : i32
      %add3A_158 = arith.addi %select_n3A_157, %mul3A_11 : i32
      "tpu.trace_start"() <{level = 10 : i32, message = "ep_finalize"}> : () -> ()
      %rem3A_159 = arith.constant 2 : i32
      %rem3A_160 = arith.remui %scan3A_122#7, %rem3A_159 : i32
      %mul3A_161 = arith.constant 8192 : i32
      %mul3A_162 = arith.muli %mul3A_161, %add3A_131 : i32
      %mul3A_163 = arith.constant 8192 : i32
      %mul3A_164 = arith.muli %rem3A_160, %mul3A_163 : i32
      %add3A_165 = arith.constant 0 : i32
      %add3A_166 = arith.addi %mul3A_164, %add3A_165 : i32
      %dma_wait3A = tpu.memref_slice %run_scoped3A_17[%add3A_166] : memref<16384xf32, #tpu.memory_space<vmem>> -> memref<8192xf32, #tpu.memory_space<vmem>>
      %dma_wait3A_167 = tpu.memref_slice %arg7[%mul3A_162] : memref<1835008xf32, #tpu.memory_space<hbm>> -> memref<8192xf32, #tpu.memory_space<hbm>>
      %dma_wait3A_168 = tpu.memref_slice %run_scoped3A_18[%rem3A_160] : memref<2x!tpu.dma_semaphore, #tpu.memory_space<semaphore_mem>> -> memref<1x!tpu.dma_semaphore, #tpu.memory_space<semaphore_mem>>
      %dma_wait3A_169 = tpu.memref_squeeze %dma_wait3A_168 : memref<1x!tpu.dma_semaphore, #tpu.memory_space<semaphore_mem>> -> memref<!tpu.dma_semaphore, #tpu.memory_space<semaphore_mem>>
      %dma_wait3A_170 = tpu.memref_slice %arg7[%mul3A_162] : memref<1835008xf32, #tpu.memory_space<hbm>> -> memref<8192xf32, #tpu.memory_space<hbm>>
      %dma_wait3A_171 = tpu.memref_slice %run_scoped3A_17[%add3A_166] : memref<16384xf32, #tpu.memory_space<vmem>> -> memref<8192xf32, #tpu.memory_space<vmem>>
      tpu.wait_dma2 semaphore(%dma_wait3A_169 : memref<!tpu.dma_semaphore, #tpu.memory_space<semaphore_mem>>) src(%dma_wait3A_171 : memref<8192xf32, #tpu.memory_space<vmem>>) dst(%dma_wait3A_170 : memref<8192xf32, #tpu.memory_space<hbm>>)
      "tpu.trace_stop"() : () -> ()
      tpu.yield
    }) : () -> ()
    return
  }
}

module attributes {stable_mosaic.version = 14 : i64} {
  func.func @_tc_body(%arg0: i32, %arg1: memref<16xf32, #tpu.memory_space<vmem>>, %arg2: memref<16xf32, #tpu.memory_space<vmem>>, %arg3: memref<262144xf32, #tpu.memory_space<vmem>>, %arg4: memref<262144xf32, #tpu.memory_space<vmem>>, %arg5: memref<262144xi32, #tpu.memory_space<vmem>>, %arg6: memref<262144xf32, #tpu.memory_space<vmem>>) attributes {dimension_semantics = [#tpu.dimension_semantics<parallel>], iteration_bounds = array<i64: 9>, scalar_prefetch = 0 : i64, scratch_operands = 0 : i64, tpu.core_type = #tpu.core_type<tc>, window_params = [{pipeline_mode = #tpu.pipeline_mode<synchronous>, transform_indices = @transform_0, window_bounds = array<i64: 16>}, {pipeline_mode = #tpu.pipeline_mode<synchronous>, transform_indices = @transform_1, window_bounds = array<i64: 16>}, {transform_indices = @transform_2, window_bounds = array<i64: 262144>}, {transform_indices = @transform_3, window_bounds = array<i64: 262144>}, {transform_indices = @transform_4, window_bounds = array<i64: 262144>}, {transform_indices = @transform_5, window_bounds = array<i64: 262144>}]} {
    %get3A = arith.constant 0 : index
    %get3A_0 = vector.load %arg1[%get3A] : memref<16xf32, #tpu.memory_space<vmem>>, vector<16xf32>
    %get3A_1 = arith.constant 0 : index
    %get3A_2 = vector.load %arg2[%get3A_1] : memref<16xf32, #tpu.memory_space<vmem>>, vector<16xf32>
    %slice3A = vector.extract_strided_slice %get3A_0 {offsets = [0], sizes = [1], strides = [1]} : vector<16xf32> to vector<1xf32>
    %squeeze3A = vector.extract %slice3A[0] : f32 from vector<1xf32>
    %broadcast_in_dim3A = vector.broadcast %squeeze3A : f32 to vector<1024xf32>
    %slice3A_3 = vector.extract_strided_slice %get3A_0 {offsets = [1], sizes = [1], strides = [1]} : vector<16xf32> to vector<1xf32>
    %squeeze3A_4 = vector.extract %slice3A_3[0] : f32 from vector<1xf32>
    %broadcast_in_dim3A_5 = vector.broadcast %squeeze3A_4 : f32 to vector<1024xf32>
    %slice3A_6 = vector.extract_strided_slice %get3A_0 {offsets = [2], sizes = [1], strides = [1]} : vector<16xf32> to vector<1xf32>
    %squeeze3A_7 = vector.extract %slice3A_6[0] : f32 from vector<1xf32>
    %broadcast_in_dim3A_8 = vector.broadcast %squeeze3A_7 : f32 to vector<1024xf32>
    %slice3A_9 = vector.extract_strided_slice %get3A_0 {offsets = [3], sizes = [1], strides = [1]} : vector<16xf32> to vector<1xf32>
    %squeeze3A_10 = vector.extract %slice3A_9[0] : f32 from vector<1xf32>
    %broadcast_in_dim3A_11 = vector.broadcast %squeeze3A_10 : f32 to vector<1024xf32>
    %slice3A_12 = vector.extract_strided_slice %get3A_0 {offsets = [4], sizes = [1], strides = [1]} : vector<16xf32> to vector<1xf32>
    %squeeze3A_13 = vector.extract %slice3A_12[0] : f32 from vector<1xf32>
    %broadcast_in_dim3A_14 = vector.broadcast %squeeze3A_13 : f32 to vector<1024xf32>
    %slice3A_15 = vector.extract_strided_slice %get3A_0 {offsets = [5], sizes = [1], strides = [1]} : vector<16xf32> to vector<1xf32>
    %squeeze3A_16 = vector.extract %slice3A_15[0] : f32 from vector<1xf32>
    %broadcast_in_dim3A_17 = vector.broadcast %squeeze3A_16 : f32 to vector<1024xf32>
    %slice3A_18 = vector.extract_strided_slice %get3A_0 {offsets = [6], sizes = [1], strides = [1]} : vector<16xf32> to vector<1xf32>
    %squeeze3A_19 = vector.extract %slice3A_18[0] : f32 from vector<1xf32>
    %broadcast_in_dim3A_20 = vector.broadcast %squeeze3A_19 : f32 to vector<1024xf32>
    %slice3A_21 = vector.extract_strided_slice %get3A_0 {offsets = [7], sizes = [1], strides = [1]} : vector<16xf32> to vector<1xf32>
    %squeeze3A_22 = vector.extract %slice3A_21[0] : f32 from vector<1xf32>
    %broadcast_in_dim3A_23 = vector.broadcast %squeeze3A_22 : f32 to vector<1024xf32>
    %slice3A_24 = vector.extract_strided_slice %get3A_0 {offsets = [8], sizes = [1], strides = [1]} : vector<16xf32> to vector<1xf32>
    %squeeze3A_25 = vector.extract %slice3A_24[0] : f32 from vector<1xf32>
    %broadcast_in_dim3A_26 = vector.broadcast %squeeze3A_25 : f32 to vector<1024xf32>
    %slice3A_27 = vector.extract_strided_slice %get3A_0 {offsets = [9], sizes = [1], strides = [1]} : vector<16xf32> to vector<1xf32>
    %squeeze3A_28 = vector.extract %slice3A_27[0] : f32 from vector<1xf32>
    %broadcast_in_dim3A_29 = vector.broadcast %squeeze3A_28 : f32 to vector<1024xf32>
    %slice3A_30 = vector.extract_strided_slice %get3A_0 {offsets = [10], sizes = [1], strides = [1]} : vector<16xf32> to vector<1xf32>
    %squeeze3A_31 = vector.extract %slice3A_30[0] : f32 from vector<1xf32>
    %broadcast_in_dim3A_32 = vector.broadcast %squeeze3A_31 : f32 to vector<1024xf32>
    %slice3A_33 = vector.extract_strided_slice %get3A_0 {offsets = [11], sizes = [1], strides = [1]} : vector<16xf32> to vector<1xf32>
    %squeeze3A_34 = vector.extract %slice3A_33[0] : f32 from vector<1xf32>
    %broadcast_in_dim3A_35 = vector.broadcast %squeeze3A_34 : f32 to vector<1024xf32>
    %slice3A_36 = vector.extract_strided_slice %get3A_0 {offsets = [12], sizes = [1], strides = [1]} : vector<16xf32> to vector<1xf32>
    %squeeze3A_37 = vector.extract %slice3A_36[0] : f32 from vector<1xf32>
    %broadcast_in_dim3A_38 = vector.broadcast %squeeze3A_37 : f32 to vector<1024xf32>
    %slice3A_39 = vector.extract_strided_slice %get3A_0 {offsets = [13], sizes = [1], strides = [1]} : vector<16xf32> to vector<1xf32>
    %squeeze3A_40 = vector.extract %slice3A_39[0] : f32 from vector<1xf32>
    %broadcast_in_dim3A_41 = vector.broadcast %squeeze3A_40 : f32 to vector<1024xf32>
    %slice3A_42 = vector.extract_strided_slice %get3A_0 {offsets = [14], sizes = [1], strides = [1]} : vector<16xf32> to vector<1xf32>
    %squeeze3A_43 = vector.extract %slice3A_42[0] : f32 from vector<1xf32>
    %broadcast_in_dim3A_44 = vector.broadcast %squeeze3A_43 : f32 to vector<1024xf32>
    %slice3A_45 = vector.extract_strided_slice %get3A_0 {offsets = [15], sizes = [1], strides = [1]} : vector<16xf32> to vector<1xf32>
    %squeeze3A_46 = vector.extract %slice3A_45[0] : f32 from vector<1xf32>
    %broadcast_in_dim3A_47 = vector.broadcast %squeeze3A_46 : f32 to vector<1024xf32>
    %slice3A_48 = vector.extract_strided_slice %get3A_2 {offsets = [0], sizes = [1], strides = [1]} : vector<16xf32> to vector<1xf32>
    %squeeze3A_49 = vector.extract %slice3A_48[0] : f32 from vector<1xf32>
    %broadcast_in_dim3A_50 = vector.broadcast %squeeze3A_49 : f32 to vector<1024xf32>
    %slice3A_51 = vector.extract_strided_slice %get3A_2 {offsets = [1], sizes = [1], strides = [1]} : vector<16xf32> to vector<1xf32>
    %squeeze3A_52 = vector.extract %slice3A_51[0] : f32 from vector<1xf32>
    %broadcast_in_dim3A_53 = vector.broadcast %squeeze3A_52 : f32 to vector<1024xf32>
    %slice3A_54 = vector.extract_strided_slice %get3A_2 {offsets = [2], sizes = [1], strides = [1]} : vector<16xf32> to vector<1xf32>
    %squeeze3A_55 = vector.extract %slice3A_54[0] : f32 from vector<1xf32>
    %broadcast_in_dim3A_56 = vector.broadcast %squeeze3A_55 : f32 to vector<1024xf32>
    %slice3A_57 = vector.extract_strided_slice %get3A_2 {offsets = [3], sizes = [1], strides = [1]} : vector<16xf32> to vector<1xf32>
    %squeeze3A_58 = vector.extract %slice3A_57[0] : f32 from vector<1xf32>
    %broadcast_in_dim3A_59 = vector.broadcast %squeeze3A_58 : f32 to vector<1024xf32>
    %slice3A_60 = vector.extract_strided_slice %get3A_2 {offsets = [4], sizes = [1], strides = [1]} : vector<16xf32> to vector<1xf32>
    %squeeze3A_61 = vector.extract %slice3A_60[0] : f32 from vector<1xf32>
    %broadcast_in_dim3A_62 = vector.broadcast %squeeze3A_61 : f32 to vector<1024xf32>
    %slice3A_63 = vector.extract_strided_slice %get3A_2 {offsets = [5], sizes = [1], strides = [1]} : vector<16xf32> to vector<1xf32>
    %squeeze3A_64 = vector.extract %slice3A_63[0] : f32 from vector<1xf32>
    %broadcast_in_dim3A_65 = vector.broadcast %squeeze3A_64 : f32 to vector<1024xf32>
    %slice3A_66 = vector.extract_strided_slice %get3A_2 {offsets = [6], sizes = [1], strides = [1]} : vector<16xf32> to vector<1xf32>
    %squeeze3A_67 = vector.extract %slice3A_66[0] : f32 from vector<1xf32>
    %broadcast_in_dim3A_68 = vector.broadcast %squeeze3A_67 : f32 to vector<1024xf32>
    %slice3A_69 = vector.extract_strided_slice %get3A_2 {offsets = [7], sizes = [1], strides = [1]} : vector<16xf32> to vector<1xf32>
    %squeeze3A_70 = vector.extract %slice3A_69[0] : f32 from vector<1xf32>
    %broadcast_in_dim3A_71 = vector.broadcast %squeeze3A_70 : f32 to vector<1024xf32>
    %slice3A_72 = vector.extract_strided_slice %get3A_2 {offsets = [8], sizes = [1], strides = [1]} : vector<16xf32> to vector<1xf32>
    %squeeze3A_73 = vector.extract %slice3A_72[0] : f32 from vector<1xf32>
    %broadcast_in_dim3A_74 = vector.broadcast %squeeze3A_73 : f32 to vector<1024xf32>
    %slice3A_75 = vector.extract_strided_slice %get3A_2 {offsets = [9], sizes = [1], strides = [1]} : vector<16xf32> to vector<1xf32>
    %squeeze3A_76 = vector.extract %slice3A_75[0] : f32 from vector<1xf32>
    %broadcast_in_dim3A_77 = vector.broadcast %squeeze3A_76 : f32 to vector<1024xf32>
    %slice3A_78 = vector.extract_strided_slice %get3A_2 {offsets = [10], sizes = [1], strides = [1]} : vector<16xf32> to vector<1xf32>
    %squeeze3A_79 = vector.extract %slice3A_78[0] : f32 from vector<1xf32>
    %broadcast_in_dim3A_80 = vector.broadcast %squeeze3A_79 : f32 to vector<1024xf32>
    %slice3A_81 = vector.extract_strided_slice %get3A_2 {offsets = [11], sizes = [1], strides = [1]} : vector<16xf32> to vector<1xf32>
    %squeeze3A_82 = vector.extract %slice3A_81[0] : f32 from vector<1xf32>
    %broadcast_in_dim3A_83 = vector.broadcast %squeeze3A_82 : f32 to vector<1024xf32>
    %slice3A_84 = vector.extract_strided_slice %get3A_2 {offsets = [12], sizes = [1], strides = [1]} : vector<16xf32> to vector<1xf32>
    %squeeze3A_85 = vector.extract %slice3A_84[0] : f32 from vector<1xf32>
    %broadcast_in_dim3A_86 = vector.broadcast %squeeze3A_85 : f32 to vector<1024xf32>
    %slice3A_87 = vector.extract_strided_slice %get3A_2 {offsets = [13], sizes = [1], strides = [1]} : vector<16xf32> to vector<1xf32>
    %squeeze3A_88 = vector.extract %slice3A_87[0] : f32 from vector<1xf32>
    %broadcast_in_dim3A_89 = vector.broadcast %squeeze3A_88 : f32 to vector<1024xf32>
    %slice3A_90 = vector.extract_strided_slice %get3A_2 {offsets = [14], sizes = [1], strides = [1]} : vector<16xf32> to vector<1xf32>
    %squeeze3A_91 = vector.extract %slice3A_90[0] : f32 from vector<1xf32>
    %broadcast_in_dim3A_92 = vector.broadcast %squeeze3A_91 : f32 to vector<1024xf32>
    %slice3A_93 = vector.extract_strided_slice %get3A_2 {offsets = [15], sizes = [1], strides = [1]} : vector<16xf32> to vector<1xf32>
    %squeeze3A_94 = vector.extract %slice3A_93[0] : f32 from vector<1xf32>
    %broadcast_in_dim3A_95 = vector.broadcast %squeeze3A_94 : f32 to vector<1024xf32>
    %scan3A = arith.constant 0 : i32
    %scan3A_96 = arith.constant 256 : i32
    %scan3A_97 = arith.addi %scan3A, %scan3A_96 : i32
    %scan3A_98 = arith.constant 8 : i32
    scf.for %scan3A_100 = %scan3A to %scan3A_97 step %scan3A_98  : i32 {
      %mul3A = arith.constant 1024 : i32
      %mul3A_101 = arith.muli %scan3A_100, %mul3A : i32
      %add3A = arith.constant 0 : i32
      %add3A_102 = arith.addi %add3A, %mul3A_101 : i32
      %get3A_103 = arith.index_cast %add3A_102 : i32 to index
      %get3A_104 = vector.load %arg5[%get3A_103] : memref<262144xi32, #tpu.memory_space<vmem>>, vector<1024xi32>
      %get3A_105 = arith.index_cast %add3A_102 : i32 to index
      %get3A_106 = vector.load %arg3[%get3A_105] : memref<262144xf32, #tpu.memory_space<vmem>>, vector<1024xf32>
      %get3A_107 = arith.index_cast %add3A_102 : i32 to index
      %get3A_108 = vector.load %arg4[%get3A_107] : memref<262144xf32, #tpu.memory_space<vmem>>, vector<1024xf32>
      %mul3A_109 = arith.mulf %get3A_106, %get3A_108 : vector<1024xf32>
      %mul3A_110 = arith.constant 0.00238095247 : f32
      %mul3A_111 = vector.broadcast %mul3A_110 : f32 to vector<1024xf32>
      %mul3A_112 = arith.mulf %mul3A_109, %mul3A_111 : vector<1024xf32>
      %and3A = arith.constant 1 : i32
      %and3A_113 = vector.broadcast %and3A : i32 to vector<1024xi32>
      %and3A_114 = arith.andi %get3A_104, %and3A_113 : vector<1024xi32>
      %ne3A = arith.constant 0 : i32
      %ne3A_115 = vector.broadcast %ne3A : i32 to vector<1024xi32>
      %ne3A_116 = arith.cmpi ne, %and3A_114, %ne3A_115 : vector<1024xi32>
      %and3A_117 = arith.constant 2 : i32
      %and3A_118 = vector.broadcast %and3A_117 : i32 to vector<1024xi32>
      %and3A_119 = arith.andi %get3A_104, %and3A_118 : vector<1024xi32>
      %ne3A_120 = arith.constant 0 : i32
      %ne3A_121 = vector.broadcast %ne3A_120 : i32 to vector<1024xi32>
      %ne3A_122 = arith.cmpi ne, %and3A_119, %ne3A_121 : vector<1024xi32>
      %and3A_123 = arith.constant 4 : i32
      %and3A_124 = vector.broadcast %and3A_123 : i32 to vector<1024xi32>
      %and3A_125 = arith.andi %get3A_104, %and3A_124 : vector<1024xi32>
      %ne3A_126 = arith.constant 0 : i32
      %ne3A_127 = vector.broadcast %ne3A_126 : i32 to vector<1024xi32>
      %ne3A_128 = arith.cmpi ne, %and3A_125, %ne3A_127 : vector<1024xi32>
      %and3A_129 = arith.constant 8 : i32
      %and3A_130 = vector.broadcast %and3A_129 : i32 to vector<1024xi32>
      %and3A_131 = arith.andi %get3A_104, %and3A_130 : vector<1024xi32>
      %ne3A_132 = arith.constant 0 : i32
      %ne3A_133 = vector.broadcast %ne3A_132 : i32 to vector<1024xi32>
      %ne3A_134 = arith.cmpi ne, %and3A_131, %ne3A_133 : vector<1024xi32>
      %select_n3A = arith.select %ne3A_116, %broadcast_in_dim3A_5, %broadcast_in_dim3A : vector<1024xi1>, vector<1024xf32>
      %select_n3A_135 = arith.select %ne3A_116, %broadcast_in_dim3A_11, %broadcast_in_dim3A_8 : vector<1024xi1>, vector<1024xf32>
      %select_n3A_136 = arith.select %ne3A_116, %broadcast_in_dim3A_17, %broadcast_in_dim3A_14 : vector<1024xi1>, vector<1024xf32>
      %select_n3A_137 = arith.select %ne3A_116, %broadcast_in_dim3A_23, %broadcast_in_dim3A_20 : vector<1024xi1>, vector<1024xf32>
      %select_n3A_138 = arith.select %ne3A_116, %broadcast_in_dim3A_29, %broadcast_in_dim3A_26 : vector<1024xi1>, vector<1024xf32>
      %select_n3A_139 = arith.select %ne3A_116, %broadcast_in_dim3A_35, %broadcast_in_dim3A_32 : vector<1024xi1>, vector<1024xf32>
      %select_n3A_140 = arith.select %ne3A_116, %broadcast_in_dim3A_41, %broadcast_in_dim3A_38 : vector<1024xi1>, vector<1024xf32>
      %select_n3A_141 = arith.select %ne3A_116, %broadcast_in_dim3A_47, %broadcast_in_dim3A_44 : vector<1024xi1>, vector<1024xf32>
      %select_n3A_142 = arith.select %ne3A_116, %broadcast_in_dim3A_53, %broadcast_in_dim3A_50 : vector<1024xi1>, vector<1024xf32>
      %select_n3A_143 = arith.select %ne3A_116, %broadcast_in_dim3A_59, %broadcast_in_dim3A_56 : vector<1024xi1>, vector<1024xf32>
      %select_n3A_144 = arith.select %ne3A_116, %broadcast_in_dim3A_65, %broadcast_in_dim3A_62 : vector<1024xi1>, vector<1024xf32>
      %select_n3A_145 = arith.select %ne3A_116, %broadcast_in_dim3A_71, %broadcast_in_dim3A_68 : vector<1024xi1>, vector<1024xf32>
      %select_n3A_146 = arith.select %ne3A_116, %broadcast_in_dim3A_77, %broadcast_in_dim3A_74 : vector<1024xi1>, vector<1024xf32>
      %select_n3A_147 = arith.select %ne3A_116, %broadcast_in_dim3A_83, %broadcast_in_dim3A_80 : vector<1024xi1>, vector<1024xf32>
      %select_n3A_148 = arith.select %ne3A_116, %broadcast_in_dim3A_89, %broadcast_in_dim3A_86 : vector<1024xi1>, vector<1024xf32>
      %select_n3A_149 = arith.select %ne3A_116, %broadcast_in_dim3A_95, %broadcast_in_dim3A_92 : vector<1024xi1>, vector<1024xf32>
      %select_n3A_150 = arith.select %ne3A_122, %select_n3A_135, %select_n3A : vector<1024xi1>, vector<1024xf32>
      %select_n3A_151 = arith.select %ne3A_122, %select_n3A_137, %select_n3A_136 : vector<1024xi1>, vector<1024xf32>
      %select_n3A_152 = arith.select %ne3A_122, %select_n3A_139, %select_n3A_138 : vector<1024xi1>, vector<1024xf32>
      %select_n3A_153 = arith.select %ne3A_122, %select_n3A_141, %select_n3A_140 : vector<1024xi1>, vector<1024xf32>
      %select_n3A_154 = arith.select %ne3A_122, %select_n3A_143, %select_n3A_142 : vector<1024xi1>, vector<1024xf32>
      %select_n3A_155 = arith.select %ne3A_122, %select_n3A_145, %select_n3A_144 : vector<1024xi1>, vector<1024xf32>
      %select_n3A_156 = arith.select %ne3A_122, %select_n3A_147, %select_n3A_146 : vector<1024xi1>, vector<1024xf32>
      %select_n3A_157 = arith.select %ne3A_122, %select_n3A_149, %select_n3A_148 : vector<1024xi1>, vector<1024xf32>
      %select_n3A_158 = arith.select %ne3A_128, %select_n3A_151, %select_n3A_150 : vector<1024xi1>, vector<1024xf32>
      %select_n3A_159 = arith.select %ne3A_128, %select_n3A_153, %select_n3A_152 : vector<1024xi1>, vector<1024xf32>
      %select_n3A_160 = arith.select %ne3A_128, %select_n3A_155, %select_n3A_154 : vector<1024xi1>, vector<1024xf32>
      %select_n3A_161 = arith.select %ne3A_128, %select_n3A_157, %select_n3A_156 : vector<1024xi1>, vector<1024xf32>
      %select_n3A_162 = arith.select %ne3A_134, %select_n3A_159, %select_n3A_158 : vector<1024xi1>, vector<1024xf32>
      %select_n3A_163 = arith.select %ne3A_134, %select_n3A_161, %select_n3A_160 : vector<1024xi1>, vector<1024xf32>
      %mul3A_164 = arith.mulf %select_n3A_163, %mul3A_112 : vector<1024xf32>
      %add3A_165 = arith.addf %select_n3A_162, %mul3A_164 : vector<1024xf32>
      %swap3A = arith.index_cast %add3A_102 : i32 to index
      %swap3A_166 = vector.load %arg6[%swap3A] : memref<262144xf32, #tpu.memory_space<vmem>>, vector<1024xf32>
      tpu.vector_store %arg6[%swap3A], %add3A_165 {strides = array<i32>} : memref<262144xf32, #tpu.memory_space<vmem>>, vector<1024xf32>,
      %scan3A_167 = arith.constant 1 : i32
      %scan3A_168 = arith.addi %scan3A_100, %scan3A_167 : i32
      %mul3A_169 = arith.constant 1024 : i32
      %mul3A_170 = arith.muli %scan3A_168, %mul3A_169 : i32
      %add3A_171 = arith.constant 0 : i32
      %add3A_172 = arith.addi %add3A_171, %mul3A_170 : i32
      %get3A_173 = arith.index_cast %add3A_172 : i32 to index
      %get3A_174 = vector.load %arg5[%get3A_173] : memref<262144xi32, #tpu.memory_space<vmem>>, vector<1024xi32>
      %get3A_175 = arith.index_cast %add3A_172 : i32 to index
      %get3A_176 = vector.load %arg3[%get3A_175] : memref<262144xf32, #tpu.memory_space<vmem>>, vector<1024xf32>
      %get3A_177 = arith.index_cast %add3A_172 : i32 to index
      %get3A_178 = vector.load %arg4[%get3A_177] : memref<262144xf32, #tpu.memory_space<vmem>>, vector<1024xf32>
      %mul3A_179 = arith.mulf %get3A_176, %get3A_178 : vector<1024xf32>
      %mul3A_180 = arith.constant 0.00238095247 : f32
      %mul3A_181 = vector.broadcast %mul3A_180 : f32 to vector<1024xf32>
      %mul3A_182 = arith.mulf %mul3A_179, %mul3A_181 : vector<1024xf32>
      %and3A_183 = arith.constant 1 : i32
      %and3A_184 = vector.broadcast %and3A_183 : i32 to vector<1024xi32>
      %and3A_185 = arith.andi %get3A_174, %and3A_184 : vector<1024xi32>
      %ne3A_186 = arith.constant 0 : i32
      %ne3A_187 = vector.broadcast %ne3A_186 : i32 to vector<1024xi32>
      %ne3A_188 = arith.cmpi ne, %and3A_185, %ne3A_187 : vector<1024xi32>
      %and3A_189 = arith.constant 2 : i32
      %and3A_190 = vector.broadcast %and3A_189 : i32 to vector<1024xi32>
      %and3A_191 = arith.andi %get3A_174, %and3A_190 : vector<1024xi32>
      %ne3A_192 = arith.constant 0 : i32
      %ne3A_193 = vector.broadcast %ne3A_192 : i32 to vector<1024xi32>
      %ne3A_194 = arith.cmpi ne, %and3A_191, %ne3A_193 : vector<1024xi32>
      %and3A_195 = arith.constant 4 : i32
      %and3A_196 = vector.broadcast %and3A_195 : i32 to vector<1024xi32>
      %and3A_197 = arith.andi %get3A_174, %and3A_196 : vector<1024xi32>
      %ne3A_198 = arith.constant 0 : i32
      %ne3A_199 = vector.broadcast %ne3A_198 : i32 to vector<1024xi32>
      %ne3A_200 = arith.cmpi ne, %and3A_197, %ne3A_199 : vector<1024xi32>
      %and3A_201 = arith.constant 8 : i32
      %and3A_202 = vector.broadcast %and3A_201 : i32 to vector<1024xi32>
      %and3A_203 = arith.andi %get3A_174, %and3A_202 : vector<1024xi32>
      %ne3A_204 = arith.constant 0 : i32
      %ne3A_205 = vector.broadcast %ne3A_204 : i32 to vector<1024xi32>
      %ne3A_206 = arith.cmpi ne, %and3A_203, %ne3A_205 : vector<1024xi32>
      %select_n3A_207 = arith.select %ne3A_188, %broadcast_in_dim3A_5, %broadcast_in_dim3A : vector<1024xi1>, vector<1024xf32>
      %select_n3A_208 = arith.select %ne3A_188, %broadcast_in_dim3A_11, %broadcast_in_dim3A_8 : vector<1024xi1>, vector<1024xf32>
      %select_n3A_209 = arith.select %ne3A_188, %broadcast_in_dim3A_17, %broadcast_in_dim3A_14 : vector<1024xi1>, vector<1024xf32>
      %select_n3A_210 = arith.select %ne3A_188, %broadcast_in_dim3A_23, %broadcast_in_dim3A_20 : vector<1024xi1>, vector<1024xf32>
      %select_n3A_211 = arith.select %ne3A_188, %broadcast_in_dim3A_29, %broadcast_in_dim3A_26 : vector<1024xi1>, vector<1024xf32>
      %select_n3A_212 = arith.select %ne3A_188, %broadcast_in_dim3A_35, %broadcast_in_dim3A_32 : vector<1024xi1>, vector<1024xf32>
      %select_n3A_213 = arith.select %ne3A_188, %broadcast_in_dim3A_41, %broadcast_in_dim3A_38 : vector<1024xi1>, vector<1024xf32>
      %select_n3A_214 = arith.select %ne3A_188, %broadcast_in_dim3A_47, %broadcast_in_dim3A_44 : vector<1024xi1>, vector<1024xf32>
      %select_n3A_215 = arith.select %ne3A_188, %broadcast_in_dim3A_53, %broadcast_in_dim3A_50 : vector<1024xi1>, vector<1024xf32>
      %select_n3A_216 = arith.select %ne3A_188, %broadcast_in_dim3A_59, %broadcast_in_dim3A_56 : vector<1024xi1>, vector<1024xf32>
      %select_n3A_217 = arith.select %ne3A_188, %broadcast_in_dim3A_65, %broadcast_in_dim3A_62 : vector<1024xi1>, vector<1024xf32>
      %select_n3A_218 = arith.select %ne3A_188, %broadcast_in_dim3A_71, %broadcast_in_dim3A_68 : vector<1024xi1>, vector<1024xf32>
      %select_n3A_219 = arith.select %ne3A_188, %broadcast_in_dim3A_77, %broadcast_in_dim3A_74 : vector<1024xi1>, vector<1024xf32>
      %select_n3A_220 = arith.select %ne3A_188, %broadcast_in_dim3A_83, %broadcast_in_dim3A_80 : vector<1024xi1>, vector<1024xf32>
      %select_n3A_221 = arith.select %ne3A_188, %broadcast_in_dim3A_89, %broadcast_in_dim3A_86 : vector<1024xi1>, vector<1024xf32>
      %select_n3A_222 = arith.select %ne3A_188, %broadcast_in_dim3A_95, %broadcast_in_dim3A_92 : vector<1024xi1>, vector<1024xf32>
      %select_n3A_223 = arith.select %ne3A_194, %select_n3A_208, %select_n3A_207 : vector<1024xi1>, vector<1024xf32>
      %select_n3A_224 = arith.select %ne3A_194, %select_n3A_210, %select_n3A_209 : vector<1024xi1>, vector<1024xf32>
      %select_n3A_225 = arith.select %ne3A_194, %select_n3A_212, %select_n3A_211 : vector<1024xi1>, vector<1024xf32>
      %select_n3A_226 = arith.select %ne3A_194, %select_n3A_214, %select_n3A_213 : vector<1024xi1>, vector<1024xf32>
      %select_n3A_227 = arith.select %ne3A_194, %select_n3A_216, %select_n3A_215 : vector<1024xi1>, vector<1024xf32>
      %select_n3A_228 = arith.select %ne3A_194, %select_n3A_218, %select_n3A_217 : vector<1024xi1>, vector<1024xf32>
      %select_n3A_229 = arith.select %ne3A_194, %select_n3A_220, %select_n3A_219 : vector<1024xi1>, vector<1024xf32>
      %select_n3A_230 = arith.select %ne3A_194, %select_n3A_222, %select_n3A_221 : vector<1024xi1>, vector<1024xf32>
      %select_n3A_231 = arith.select %ne3A_200, %select_n3A_224, %select_n3A_223 : vector<1024xi1>, vector<1024xf32>
      %select_n3A_232 = arith.select %ne3A_200, %select_n3A_226, %select_n3A_225 : vector<1024xi1>, vector<1024xf32>
      %select_n3A_233 = arith.select %ne3A_200, %select_n3A_228, %select_n3A_227 : vector<1024xi1>, vector<1024xf32>
      %select_n3A_234 = arith.select %ne3A_200, %select_n3A_230, %select_n3A_229 : vector<1024xi1>, vector<1024xf32>
      %select_n3A_235 = arith.select %ne3A_206, %select_n3A_232, %select_n3A_231 : vector<1024xi1>, vector<1024xf32>
      %select_n3A_236 = arith.select %ne3A_206, %select_n3A_234, %select_n3A_233 : vector<1024xi1>, vector<1024xf32>
      %mul3A_237 = arith.mulf %select_n3A_236, %mul3A_182 : vector<1024xf32>
      %add3A_238 = arith.addf %select_n3A_235, %mul3A_237 : vector<1024xf32>
      %swap3A_239 = arith.index_cast %add3A_172 : i32 to index
      %swap3A_240 = vector.load %arg6[%swap3A_239] : memref<262144xf32, #tpu.memory_space<vmem>>, vector<1024xf32>
      tpu.vector_store %arg6[%swap3A_239], %add3A_238 {strides = array<i32>} : memref<262144xf32, #tpu.memory_space<vmem>>, vector<1024xf32>,
      %scan3A_241 = arith.constant 2 : i32
      %scan3A_242 = arith.addi %scan3A_100, %scan3A_241 : i32
      %mul3A_243 = arith.constant 1024 : i32
      %mul3A_244 = arith.muli %scan3A_242, %mul3A_243 : i32
      %add3A_245 = arith.constant 0 : i32
      %add3A_246 = arith.addi %add3A_245, %mul3A_244 : i32
      %get3A_247 = arith.index_cast %add3A_246 : i32 to index
      %get3A_248 = vector.load %arg5[%get3A_247] : memref<262144xi32, #tpu.memory_space<vmem>>, vector<1024xi32>
      %get3A_249 = arith.index_cast %add3A_246 : i32 to index
      %get3A_250 = vector.load %arg3[%get3A_249] : memref<262144xf32, #tpu.memory_space<vmem>>, vector<1024xf32>
      %get3A_251 = arith.index_cast %add3A_246 : i32 to index
      %get3A_252 = vector.load %arg4[%get3A_251] : memref<262144xf32, #tpu.memory_space<vmem>>, vector<1024xf32>
      %mul3A_253 = arith.mulf %get3A_250, %get3A_252 : vector<1024xf32>
      %mul3A_254 = arith.constant 0.00238095247 : f32
      %mul3A_255 = vector.broadcast %mul3A_254 : f32 to vector<1024xf32>
      %mul3A_256 = arith.mulf %mul3A_253, %mul3A_255 : vector<1024xf32>
      %and3A_257 = arith.constant 1 : i32
      %and3A_258 = vector.broadcast %and3A_257 : i32 to vector<1024xi32>
      %and3A_259 = arith.andi %get3A_248, %and3A_258 : vector<1024xi32>
      %ne3A_260 = arith.constant 0 : i32
      %ne3A_261 = vector.broadcast %ne3A_260 : i32 to vector<1024xi32>
      %ne3A_262 = arith.cmpi ne, %and3A_259, %ne3A_261 : vector<1024xi32>
      %and3A_263 = arith.constant 2 : i32
      %and3A_264 = vector.broadcast %and3A_263 : i32 to vector<1024xi32>
      %and3A_265 = arith.andi %get3A_248, %and3A_264 : vector<1024xi32>
      %ne3A_266 = arith.constant 0 : i32
      %ne3A_267 = vector.broadcast %ne3A_266 : i32 to vector<1024xi32>
      %ne3A_268 = arith.cmpi ne, %and3A_265, %ne3A_267 : vector<1024xi32>
      %and3A_269 = arith.constant 4 : i32
      %and3A_270 = vector.broadcast %and3A_269 : i32 to vector<1024xi32>
      %and3A_271 = arith.andi %get3A_248, %and3A_270 : vector<1024xi32>
      %ne3A_272 = arith.constant 0 : i32
      %ne3A_273 = vector.broadcast %ne3A_272 : i32 to vector<1024xi32>
      %ne3A_274 = arith.cmpi ne, %and3A_271, %ne3A_273 : vector<1024xi32>
      %and3A_275 = arith.constant 8 : i32
      %and3A_276 = vector.broadcast %and3A_275 : i32 to vector<1024xi32>
      %and3A_277 = arith.andi %get3A_248, %and3A_276 : vector<1024xi32>
      %ne3A_278 = arith.constant 0 : i32
      %ne3A_279 = vector.broadcast %ne3A_278 : i32 to vector<1024xi32>
      %ne3A_280 = arith.cmpi ne, %and3A_277, %ne3A_279 : vector<1024xi32>
      %select_n3A_281 = arith.select %ne3A_262, %broadcast_in_dim3A_5, %broadcast_in_dim3A : vector<1024xi1>, vector<1024xf32>
      %select_n3A_282 = arith.select %ne3A_262, %broadcast_in_dim3A_11, %broadcast_in_dim3A_8 : vector<1024xi1>, vector<1024xf32>
      %select_n3A_283 = arith.select %ne3A_262, %broadcast_in_dim3A_17, %broadcast_in_dim3A_14 : vector<1024xi1>, vector<1024xf32>
      %select_n3A_284 = arith.select %ne3A_262, %broadcast_in_dim3A_23, %broadcast_in_dim3A_20 : vector<1024xi1>, vector<1024xf32>
      %select_n3A_285 = arith.select %ne3A_262, %broadcast_in_dim3A_29, %broadcast_in_dim3A_26 : vector<1024xi1>, vector<1024xf32>
      %select_n3A_286 = arith.select %ne3A_262, %broadcast_in_dim3A_35, %broadcast_in_dim3A_32 : vector<1024xi1>, vector<1024xf32>
      %select_n3A_287 = arith.select %ne3A_262, %broadcast_in_dim3A_41, %broadcast_in_dim3A_38 : vector<1024xi1>, vector<1024xf32>
      %select_n3A_288 = arith.select %ne3A_262, %broadcast_in_dim3A_47, %broadcast_in_dim3A_44 : vector<1024xi1>, vector<1024xf32>
      %select_n3A_289 = arith.select %ne3A_262, %broadcast_in_dim3A_53, %broadcast_in_dim3A_50 : vector<1024xi1>, vector<1024xf32>
      %select_n3A_290 = arith.select %ne3A_262, %broadcast_in_dim3A_59, %broadcast_in_dim3A_56 : vector<1024xi1>, vector<1024xf32>
      %select_n3A_291 = arith.select %ne3A_262, %broadcast_in_dim3A_65, %broadcast_in_dim3A_62 : vector<1024xi1>, vector<1024xf32>
      %select_n3A_292 = arith.select %ne3A_262, %broadcast_in_dim3A_71, %broadcast_in_dim3A_68 : vector<1024xi1>, vector<1024xf32>
      %select_n3A_293 = arith.select %ne3A_262, %broadcast_in_dim3A_77, %broadcast_in_dim3A_74 : vector<1024xi1>, vector<1024xf32>
      %select_n3A_294 = arith.select %ne3A_262, %broadcast_in_dim3A_83, %broadcast_in_dim3A_80 : vector<1024xi1>, vector<1024xf32>
      %select_n3A_295 = arith.select %ne3A_262, %broadcast_in_dim3A_89, %broadcast_in_dim3A_86 : vector<1024xi1>, vector<1024xf32>
      %select_n3A_296 = arith.select %ne3A_262, %broadcast_in_dim3A_95, %broadcast_in_dim3A_92 : vector<1024xi1>, vector<1024xf32>
      %select_n3A_297 = arith.select %ne3A_268, %select_n3A_282, %select_n3A_281 : vector<1024xi1>, vector<1024xf32>
      %select_n3A_298 = arith.select %ne3A_268, %select_n3A_284, %select_n3A_283 : vector<1024xi1>, vector<1024xf32>
      %select_n3A_299 = arith.select %ne3A_268, %select_n3A_286, %select_n3A_285 : vector<1024xi1>, vector<1024xf32>
      %select_n3A_300 = arith.select %ne3A_268, %select_n3A_288, %select_n3A_287 : vector<1024xi1>, vector<1024xf32>
      %select_n3A_301 = arith.select %ne3A_268, %select_n3A_290, %select_n3A_289 : vector<1024xi1>, vector<1024xf32>
      %select_n3A_302 = arith.select %ne3A_268, %select_n3A_292, %select_n3A_291 : vector<1024xi1>, vector<1024xf32>
      %select_n3A_303 = arith.select %ne3A_268, %select_n3A_294, %select_n3A_293 : vector<1024xi1>, vector<1024xf32>
      %select_n3A_304 = arith.select %ne3A_268, %select_n3A_296, %select_n3A_295 : vector<1024xi1>, vector<1024xf32>
      %select_n3A_305 = arith.select %ne3A_274, %select_n3A_298, %select_n3A_297 : vector<1024xi1>, vector<1024xf32>
      %select_n3A_306 = arith.select %ne3A_274, %select_n3A_300, %select_n3A_299 : vector<1024xi1>, vector<1024xf32>
      %select_n3A_307 = arith.select %ne3A_274, %select_n3A_302, %select_n3A_301 : vector<1024xi1>, vector<1024xf32>
      %select_n3A_308 = arith.select %ne3A_274, %select_n3A_304, %select_n3A_303 : vector<1024xi1>, vector<1024xf32>
      %select_n3A_309 = arith.select %ne3A_280, %select_n3A_306, %select_n3A_305 : vector<1024xi1>, vector<1024xf32>
      %select_n3A_310 = arith.select %ne3A_280, %select_n3A_308, %select_n3A_307 : vector<1024xi1>, vector<1024xf32>
      %mul3A_311 = arith.mulf %select_n3A_310, %mul3A_256 : vector<1024xf32>
      %add3A_312 = arith.addf %select_n3A_309, %mul3A_311 : vector<1024xf32>
      %swap3A_313 = arith.index_cast %add3A_246 : i32 to index
      %swap3A_314 = vector.load %arg6[%swap3A_313] : memref<262144xf32, #tpu.memory_space<vmem>>, vector<1024xf32>
      tpu.vector_store %arg6[%swap3A_313], %add3A_312 {strides = array<i32>} : memref<262144xf32, #tpu.memory_space<vmem>>, vector<1024xf32>,
      %scan3A_315 = arith.constant 3 : i32
      %scan3A_316 = arith.addi %scan3A_100, %scan3A_315 : i32
      %mul3A_317 = arith.constant 1024 : i32
      %mul3A_318 = arith.muli %scan3A_316, %mul3A_317 : i32
      %add3A_319 = arith.constant 0 : i32
      %add3A_320 = arith.addi %add3A_319, %mul3A_318 : i32
      %get3A_321 = arith.index_cast %add3A_320 : i32 to index
      %get3A_322 = vector.load %arg5[%get3A_321] : memref<262144xi32, #tpu.memory_space<vmem>>, vector<1024xi32>
      %get3A_323 = arith.index_cast %add3A_320 : i32 to index
      %get3A_324 = vector.load %arg3[%get3A_323] : memref<262144xf32, #tpu.memory_space<vmem>>, vector<1024xf32>
      %get3A_325 = arith.index_cast %add3A_320 : i32 to index
      %get3A_326 = vector.load %arg4[%get3A_325] : memref<262144xf32, #tpu.memory_space<vmem>>, vector<1024xf32>
      %mul3A_327 = arith.mulf %get3A_324, %get3A_326 : vector<1024xf32>
      %mul3A_328 = arith.constant 0.00238095247 : f32
      %mul3A_329 = vector.broadcast %mul3A_328 : f32 to vector<1024xf32>
      %mul3A_330 = arith.mulf %mul3A_327, %mul3A_329 : vector<1024xf32>
      %and3A_331 = arith.constant 1 : i32
      %and3A_332 = vector.broadcast %and3A_331 : i32 to vector<1024xi32>
      %and3A_333 = arith.andi %get3A_322, %and3A_332 : vector<1024xi32>
      %ne3A_334 = arith.constant 0 : i32
      %ne3A_335 = vector.broadcast %ne3A_334 : i32 to vector<1024xi32>
      %ne3A_336 = arith.cmpi ne, %and3A_333, %ne3A_335 : vector<1024xi32>
      %and3A_337 = arith.constant 2 : i32
      %and3A_338 = vector.broadcast %and3A_337 : i32 to vector<1024xi32>
      %and3A_339 = arith.andi %get3A_322, %and3A_338 : vector<1024xi32>
      %ne3A_340 = arith.constant 0 : i32
      %ne3A_341 = vector.broadcast %ne3A_340 : i32 to vector<1024xi32>
      %ne3A_342 = arith.cmpi ne, %and3A_339, %ne3A_341 : vector<1024xi32>
      %and3A_343 = arith.constant 4 : i32
      %and3A_344 = vector.broadcast %and3A_343 : i32 to vector<1024xi32>
      %and3A_345 = arith.andi %get3A_322, %and3A_344 : vector<1024xi32>
      %ne3A_346 = arith.constant 0 : i32
      %ne3A_347 = vector.broadcast %ne3A_346 : i32 to vector<1024xi32>
      %ne3A_348 = arith.cmpi ne, %and3A_345, %ne3A_347 : vector<1024xi32>
      %and3A_349 = arith.constant 8 : i32
      %and3A_350 = vector.broadcast %and3A_349 : i32 to vector<1024xi32>
      %and3A_351 = arith.andi %get3A_322, %and3A_350 : vector<1024xi32>
      %ne3A_352 = arith.constant 0 : i32
      %ne3A_353 = vector.broadcast %ne3A_352 : i32 to vector<1024xi32>
      %ne3A_354 = arith.cmpi ne, %and3A_351, %ne3A_353 : vector<1024xi32>
      %select_n3A_355 = arith.select %ne3A_336, %broadcast_in_dim3A_5, %broadcast_in_dim3A : vector<1024xi1>, vector<1024xf32>
      %select_n3A_356 = arith.select %ne3A_336, %broadcast_in_dim3A_11, %broadcast_in_dim3A_8 : vector<1024xi1>, vector<1024xf32>
      %select_n3A_357 = arith.select %ne3A_336, %broadcast_in_dim3A_17, %broadcast_in_dim3A_14 : vector<1024xi1>, vector<1024xf32>
      %select_n3A_358 = arith.select %ne3A_336, %broadcast_in_dim3A_23, %broadcast_in_dim3A_20 : vector<1024xi1>, vector<1024xf32>
      %select_n3A_359 = arith.select %ne3A_336, %broadcast_in_dim3A_29, %broadcast_in_dim3A_26 : vector<1024xi1>, vector<1024xf32>
      %select_n3A_360 = arith.select %ne3A_336, %broadcast_in_dim3A_35, %broadcast_in_dim3A_32 : vector<1024xi1>, vector<1024xf32>
      %select_n3A_361 = arith.select %ne3A_336, %broadcast_in_dim3A_41, %broadcast_in_dim3A_38 : vector<1024xi1>, vector<1024xf32>
      %select_n3A_362 = arith.select %ne3A_336, %broadcast_in_dim3A_47, %broadcast_in_dim3A_44 : vector<1024xi1>, vector<1024xf32>
      %select_n3A_363 = arith.select %ne3A_336, %broadcast_in_dim3A_53, %broadcast_in_dim3A_50 : vector<1024xi1>, vector<1024xf32>
      %select_n3A_364 = arith.select %ne3A_336, %broadcast_in_dim3A_59, %broadcast_in_dim3A_56 : vector<1024xi1>, vector<1024xf32>
      %select_n3A_365 = arith.select %ne3A_336, %broadcast_in_dim3A_65, %broadcast_in_dim3A_62 : vector<1024xi1>, vector<1024xf32>
      %select_n3A_366 = arith.select %ne3A_336, %broadcast_in_dim3A_71, %broadcast_in_dim3A_68 : vector<1024xi1>, vector<1024xf32>
      %select_n3A_367 = arith.select %ne3A_336, %broadcast_in_dim3A_77, %broadcast_in_dim3A_74 : vector<1024xi1>, vector<1024xf32>
      %select_n3A_368 = arith.select %ne3A_336, %broadcast_in_dim3A_83, %broadcast_in_dim3A_80 : vector<1024xi1>, vector<1024xf32>
      %select_n3A_369 = arith.select %ne3A_336, %broadcast_in_dim3A_89, %broadcast_in_dim3A_86 : vector<1024xi1>, vector<1024xf32>
      %select_n3A_370 = arith.select %ne3A_336, %broadcast_in_dim3A_95, %broadcast_in_dim3A_92 : vector<1024xi1>, vector<1024xf32>
      %select_n3A_371 = arith.select %ne3A_342, %select_n3A_356, %select_n3A_355 : vector<1024xi1>, vector<1024xf32>
      %select_n3A_372 = arith.select %ne3A_342, %select_n3A_358, %select_n3A_357 : vector<1024xi1>, vector<1024xf32>
      %select_n3A_373 = arith.select %ne3A_342, %select_n3A_360, %select_n3A_359 : vector<1024xi1>, vector<1024xf32>
      %select_n3A_374 = arith.select %ne3A_342, %select_n3A_362, %select_n3A_361 : vector<1024xi1>, vector<1024xf32>
      %select_n3A_375 = arith.select %ne3A_342, %select_n3A_364, %select_n3A_363 : vector<1024xi1>, vector<1024xf32>
      %select_n3A_376 = arith.select %ne3A_342, %select_n3A_366, %select_n3A_365 : vector<1024xi1>, vector<1024xf32>
      %select_n3A_377 = arith.select %ne3A_342, %select_n3A_368, %select_n3A_367 : vector<1024xi1>, vector<1024xf32>
      %select_n3A_378 = arith.select %ne3A_342, %select_n3A_370, %select_n3A_369 : vector<1024xi1>, vector<1024xf32>
      %select_n3A_379 = arith.select %ne3A_348, %select_n3A_372, %select_n3A_371 : vector<1024xi1>, vector<1024xf32>
      %select_n3A_380 = arith.select %ne3A_348, %select_n3A_374, %select_n3A_373 : vector<1024xi1>, vector<1024xf32>
      %select_n3A_381 = arith.select %ne3A_348, %select_n3A_376, %select_n3A_375 : vector<1024xi1>, vector<1024xf32>
      %select_n3A_382 = arith.select %ne3A_348, %select_n3A_378, %select_n3A_377 : vector<1024xi1>, vector<1024xf32>
      %select_n3A_383 = arith.select %ne3A_354, %select_n3A_380, %select_n3A_379 : vector<1024xi1>, vector<1024xf32>
      %select_n3A_384 = arith.select %ne3A_354, %select_n3A_382, %select_n3A_381 : vector<1024xi1>, vector<1024xf32>
      %mul3A_385 = arith.mulf %select_n3A_384, %mul3A_330 : vector<1024xf32>
      %add3A_386 = arith.addf %select_n3A_383, %mul3A_385 : vector<1024xf32>
      %swap3A_387 = arith.index_cast %add3A_320 : i32 to index
      %swap3A_388 = vector.load %arg6[%swap3A_387] : memref<262144xf32, #tpu.memory_space<vmem>>, vector<1024xf32>
      tpu.vector_store %arg6[%swap3A_387], %add3A_386 {strides = array<i32>} : memref<262144xf32, #tpu.memory_space<vmem>>, vector<1024xf32>,
      %scan3A_389 = arith.constant 4 : i32
      %scan3A_390 = arith.addi %scan3A_100, %scan3A_389 : i32
      %mul3A_391 = arith.constant 1024 : i32
      %mul3A_392 = arith.muli %scan3A_390, %mul3A_391 : i32
      %add3A_393 = arith.constant 0 : i32
      %add3A_394 = arith.addi %add3A_393, %mul3A_392 : i32
      %get3A_395 = arith.index_cast %add3A_394 : i32 to index
      %get3A_396 = vector.load %arg5[%get3A_395] : memref<262144xi32, #tpu.memory_space<vmem>>, vector<1024xi32>
      %get3A_397 = arith.index_cast %add3A_394 : i32 to index
      %get3A_398 = vector.load %arg3[%get3A_397] : memref<262144xf32, #tpu.memory_space<vmem>>, vector<1024xf32>
      %get3A_399 = arith.index_cast %add3A_394 : i32 to index
      %get3A_400 = vector.load %arg4[%get3A_399] : memref<262144xf32, #tpu.memory_space<vmem>>, vector<1024xf32>
      %mul3A_401 = arith.mulf %get3A_398, %get3A_400 : vector<1024xf32>
      %mul3A_402 = arith.constant 0.00238095247 : f32
      %mul3A_403 = vector.broadcast %mul3A_402 : f32 to vector<1024xf32>
      %mul3A_404 = arith.mulf %mul3A_401, %mul3A_403 : vector<1024xf32>
      %and3A_405 = arith.constant 1 : i32
      %and3A_406 = vector.broadcast %and3A_405 : i32 to vector<1024xi32>
      %and3A_407 = arith.andi %get3A_396, %and3A_406 : vector<1024xi32>
      %ne3A_408 = arith.constant 0 : i32
      %ne3A_409 = vector.broadcast %ne3A_408 : i32 to vector<1024xi32>
      %ne3A_410 = arith.cmpi ne, %and3A_407, %ne3A_409 : vector<1024xi32>
      %and3A_411 = arith.constant 2 : i32
      %and3A_412 = vector.broadcast %and3A_411 : i32 to vector<1024xi32>
      %and3A_413 = arith.andi %get3A_396, %and3A_412 : vector<1024xi32>
      %ne3A_414 = arith.constant 0 : i32
      %ne3A_415 = vector.broadcast %ne3A_414 : i32 to vector<1024xi32>
      %ne3A_416 = arith.cmpi ne, %and3A_413, %ne3A_415 : vector<1024xi32>
      %and3A_417 = arith.constant 4 : i32
      %and3A_418 = vector.broadcast %and3A_417 : i32 to vector<1024xi32>
      %and3A_419 = arith.andi %get3A_396, %and3A_418 : vector<1024xi32>
      %ne3A_420 = arith.constant 0 : i32
      %ne3A_421 = vector.broadcast %ne3A_420 : i32 to vector<1024xi32>
      %ne3A_422 = arith.cmpi ne, %and3A_419, %ne3A_421 : vector<1024xi32>
      %and3A_423 = arith.constant 8 : i32
      %and3A_424 = vector.broadcast %and3A_423 : i32 to vector<1024xi32>
      %and3A_425 = arith.andi %get3A_396, %and3A_424 : vector<1024xi32>
      %ne3A_426 = arith.constant 0 : i32
      %ne3A_427 = vector.broadcast %ne3A_426 : i32 to vector<1024xi32>
      %ne3A_428 = arith.cmpi ne, %and3A_425, %ne3A_427 : vector<1024xi32>
      %select_n3A_429 = arith.select %ne3A_410, %broadcast_in_dim3A_5, %broadcast_in_dim3A : vector<1024xi1>, vector<1024xf32>
      %select_n3A_430 = arith.select %ne3A_410, %broadcast_in_dim3A_11, %broadcast_in_dim3A_8 : vector<1024xi1>, vector<1024xf32>
      %select_n3A_431 = arith.select %ne3A_410, %broadcast_in_dim3A_17, %broadcast_in_dim3A_14 : vector<1024xi1>, vector<1024xf32>
      %select_n3A_432 = arith.select %ne3A_410, %broadcast_in_dim3A_23, %broadcast_in_dim3A_20 : vector<1024xi1>, vector<1024xf32>
      %select_n3A_433 = arith.select %ne3A_410, %broadcast_in_dim3A_29, %broadcast_in_dim3A_26 : vector<1024xi1>, vector<1024xf32>
      %select_n3A_434 = arith.select %ne3A_410, %broadcast_in_dim3A_35, %broadcast_in_dim3A_32 : vector<1024xi1>, vector<1024xf32>
      %select_n3A_435 = arith.select %ne3A_410, %broadcast_in_dim3A_41, %broadcast_in_dim3A_38 : vector<1024xi1>, vector<1024xf32>
      %select_n3A_436 = arith.select %ne3A_410, %broadcast_in_dim3A_47, %broadcast_in_dim3A_44 : vector<1024xi1>, vector<1024xf32>
      %select_n3A_437 = arith.select %ne3A_410, %broadcast_in_dim3A_53, %broadcast_in_dim3A_50 : vector<1024xi1>, vector<1024xf32>
      %select_n3A_438 = arith.select %ne3A_410, %broadcast_in_dim3A_59, %broadcast_in_dim3A_56 : vector<1024xi1>, vector<1024xf32>
      %select_n3A_439 = arith.select %ne3A_410, %broadcast_in_dim3A_65, %broadcast_in_dim3A_62 : vector<1024xi1>, vector<1024xf32>
      %select_n3A_440 = arith.select %ne3A_410, %broadcast_in_dim3A_71, %broadcast_in_dim3A_68 : vector<1024xi1>, vector<1024xf32>
      %select_n3A_441 = arith.select %ne3A_410, %broadcast_in_dim3A_77, %broadcast_in_dim3A_74 : vector<1024xi1>, vector<1024xf32>
      %select_n3A_442 = arith.select %ne3A_410, %broadcast_in_dim3A_83, %broadcast_in_dim3A_80 : vector<1024xi1>, vector<1024xf32>
      %select_n3A_443 = arith.select %ne3A_410, %broadcast_in_dim3A_89, %broadcast_in_dim3A_86 : vector<1024xi1>, vector<1024xf32>
      %select_n3A_444 = arith.select %ne3A_410, %broadcast_in_dim3A_95, %broadcast_in_dim3A_92 : vector<1024xi1>, vector<1024xf32>
      %select_n3A_445 = arith.select %ne3A_416, %select_n3A_430, %select_n3A_429 : vector<1024xi1>, vector<1024xf32>
      %select_n3A_446 = arith.select %ne3A_416, %select_n3A_432, %select_n3A_431 : vector<1024xi1>, vector<1024xf32>
      %select_n3A_447 = arith.select %ne3A_416, %select_n3A_434, %select_n3A_433 : vector<1024xi1>, vector<1024xf32>
      %select_n3A_448 = arith.select %ne3A_416, %select_n3A_436, %select_n3A_435 : vector<1024xi1>, vector<1024xf32>
      %select_n3A_449 = arith.select %ne3A_416, %select_n3A_438, %select_n3A_437 : vector<1024xi1>, vector<1024xf32>
      %select_n3A_450 = arith.select %ne3A_416, %select_n3A_440, %select_n3A_439 : vector<1024xi1>, vector<1024xf32>
      %select_n3A_451 = arith.select %ne3A_416, %select_n3A_442, %select_n3A_441 : vector<1024xi1>, vector<1024xf32>
      %select_n3A_452 = arith.select %ne3A_416, %select_n3A_444, %select_n3A_443 : vector<1024xi1>, vector<1024xf32>
      %select_n3A_453 = arith.select %ne3A_422, %select_n3A_446, %select_n3A_445 : vector<1024xi1>, vector<1024xf32>
      %select_n3A_454 = arith.select %ne3A_422, %select_n3A_448, %select_n3A_447 : vector<1024xi1>, vector<1024xf32>
      %select_n3A_455 = arith.select %ne3A_422, %select_n3A_450, %select_n3A_449 : vector<1024xi1>, vector<1024xf32>
      %select_n3A_456 = arith.select %ne3A_422, %select_n3A_452, %select_n3A_451 : vector<1024xi1>, vector<1024xf32>
      %select_n3A_457 = arith.select %ne3A_428, %select_n3A_454, %select_n3A_453 : vector<1024xi1>, vector<1024xf32>
      %select_n3A_458 = arith.select %ne3A_428, %select_n3A_456, %select_n3A_455 : vector<1024xi1>, vector<1024xf32>
      %mul3A_459 = arith.mulf %select_n3A_458, %mul3A_404 : vector<1024xf32>
      %add3A_460 = arith.addf %select_n3A_457, %mul3A_459 : vector<1024xf32>
      %swap3A_461 = arith.index_cast %add3A_394 : i32 to index
      %swap3A_462 = vector.load %arg6[%swap3A_461] : memref<262144xf32, #tpu.memory_space<vmem>>, vector<1024xf32>
      tpu.vector_store %arg6[%swap3A_461], %add3A_460 {strides = array<i32>} : memref<262144xf32, #tpu.memory_space<vmem>>, vector<1024xf32>,
      %scan3A_463 = arith.constant 5 : i32
      %scan3A_464 = arith.addi %scan3A_100, %scan3A_463 : i32
      %mul3A_465 = arith.constant 1024 : i32
      %mul3A_466 = arith.muli %scan3A_464, %mul3A_465 : i32
      %add3A_467 = arith.constant 0 : i32
      %add3A_468 = arith.addi %add3A_467, %mul3A_466 : i32
      %get3A_469 = arith.index_cast %add3A_468 : i32 to index
      %get3A_470 = vector.load %arg5[%get3A_469] : memref<262144xi32, #tpu.memory_space<vmem>>, vector<1024xi32>
      %get3A_471 = arith.index_cast %add3A_468 : i32 to index
      %get3A_472 = vector.load %arg3[%get3A_471] : memref<262144xf32, #tpu.memory_space<vmem>>, vector<1024xf32>
      %get3A_473 = arith.index_cast %add3A_468 : i32 to index
      %get3A_474 = vector.load %arg4[%get3A_473] : memref<262144xf32, #tpu.memory_space<vmem>>, vector<1024xf32>
      %mul3A_475 = arith.mulf %get3A_472, %get3A_474 : vector<1024xf32>
      %mul3A_476 = arith.constant 0.00238095247 : f32
      %mul3A_477 = vector.broadcast %mul3A_476 : f32 to vector<1024xf32>
      %mul3A_478 = arith.mulf %mul3A_475, %mul3A_477 : vector<1024xf32>
      %and3A_479 = arith.constant 1 : i32
      %and3A_480 = vector.broadcast %and3A_479 : i32 to vector<1024xi32>
      %and3A_481 = arith.andi %get3A_470, %and3A_480 : vector<1024xi32>
      %ne3A_482 = arith.constant 0 : i32
      %ne3A_483 = vector.broadcast %ne3A_482 : i32 to vector<1024xi32>
      %ne3A_484 = arith.cmpi ne, %and3A_481, %ne3A_483 : vector<1024xi32>
      %and3A_485 = arith.constant 2 : i32
      %and3A_486 = vector.broadcast %and3A_485 : i32 to vector<1024xi32>
      %and3A_487 = arith.andi %get3A_470, %and3A_486 : vector<1024xi32>
      %ne3A_488 = arith.constant 0 : i32
      %ne3A_489 = vector.broadcast %ne3A_488 : i32 to vector<1024xi32>
      %ne3A_490 = arith.cmpi ne, %and3A_487, %ne3A_489 : vector<1024xi32>
      %and3A_491 = arith.constant 4 : i32
      %and3A_492 = vector.broadcast %and3A_491 : i32 to vector<1024xi32>
      %and3A_493 = arith.andi %get3A_470, %and3A_492 : vector<1024xi32>
      %ne3A_494 = arith.constant 0 : i32
      %ne3A_495 = vector.broadcast %ne3A_494 : i32 to vector<1024xi32>
      %ne3A_496 = arith.cmpi ne, %and3A_493, %ne3A_495 : vector<1024xi32>
      %and3A_497 = arith.constant 8 : i32
      %and3A_498 = vector.broadcast %and3A_497 : i32 to vector<1024xi32>
      %and3A_499 = arith.andi %get3A_470, %and3A_498 : vector<1024xi32>
      %ne3A_500 = arith.constant 0 : i32
      %ne3A_501 = vector.broadcast %ne3A_500 : i32 to vector<1024xi32>
      %ne3A_502 = arith.cmpi ne, %and3A_499, %ne3A_501 : vector<1024xi32>
      %select_n3A_503 = arith.select %ne3A_484, %broadcast_in_dim3A_5, %broadcast_in_dim3A : vector<1024xi1>, vector<1024xf32>
      %select_n3A_504 = arith.select %ne3A_484, %broadcast_in_dim3A_11, %broadcast_in_dim3A_8 : vector<1024xi1>, vector<1024xf32>
      %select_n3A_505 = arith.select %ne3A_484, %broadcast_in_dim3A_17, %broadcast_in_dim3A_14 : vector<1024xi1>, vector<1024xf32>
      %select_n3A_506 = arith.select %ne3A_484, %broadcast_in_dim3A_23, %broadcast_in_dim3A_20 : vector<1024xi1>, vector<1024xf32>
      %select_n3A_507 = arith.select %ne3A_484, %broadcast_in_dim3A_29, %broadcast_in_dim3A_26 : vector<1024xi1>, vector<1024xf32>
      %select_n3A_508 = arith.select %ne3A_484, %broadcast_in_dim3A_35, %broadcast_in_dim3A_32 : vector<1024xi1>, vector<1024xf32>
      %select_n3A_509 = arith.select %ne3A_484, %broadcast_in_dim3A_41, %broadcast_in_dim3A_38 : vector<1024xi1>, vector<1024xf32>
      %select_n3A_510 = arith.select %ne3A_484, %broadcast_in_dim3A_47, %broadcast_in_dim3A_44 : vector<1024xi1>, vector<1024xf32>
      %select_n3A_511 = arith.select %ne3A_484, %broadcast_in_dim3A_53, %broadcast_in_dim3A_50 : vector<1024xi1>, vector<1024xf32>
      %select_n3A_512 = arith.select %ne3A_484, %broadcast_in_dim3A_59, %broadcast_in_dim3A_56 : vector<1024xi1>, vector<1024xf32>
      %select_n3A_513 = arith.select %ne3A_484, %broadcast_in_dim3A_65, %broadcast_in_dim3A_62 : vector<1024xi1>, vector<1024xf32>
      %select_n3A_514 = arith.select %ne3A_484, %broadcast_in_dim3A_71, %broadcast_in_dim3A_68 : vector<1024xi1>, vector<1024xf32>
      %select_n3A_515 = arith.select %ne3A_484, %broadcast_in_dim3A_77, %broadcast_in_dim3A_74 : vector<1024xi1>, vector<1024xf32>
      %select_n3A_516 = arith.select %ne3A_484, %broadcast_in_dim3A_83, %broadcast_in_dim3A_80 : vector<1024xi1>, vector<1024xf32>
      %select_n3A_517 = arith.select %ne3A_484, %broadcast_in_dim3A_89, %broadcast_in_dim3A_86 : vector<1024xi1>, vector<1024xf32>
      %select_n3A_518 = arith.select %ne3A_484, %broadcast_in_dim3A_95, %broadcast_in_dim3A_92 : vector<1024xi1>, vector<1024xf32>
      %select_n3A_519 = arith.select %ne3A_490, %select_n3A_504, %select_n3A_503 : vector<1024xi1>, vector<1024xf32>
      %select_n3A_520 = arith.select %ne3A_490, %select_n3A_506, %select_n3A_505 : vector<1024xi1>, vector<1024xf32>
      %select_n3A_521 = arith.select %ne3A_490, %select_n3A_508, %select_n3A_507 : vector<1024xi1>, vector<1024xf32>
      %select_n3A_522 = arith.select %ne3A_490, %select_n3A_510, %select_n3A_509 : vector<1024xi1>, vector<1024xf32>
      %select_n3A_523 = arith.select %ne3A_490, %select_n3A_512, %select_n3A_511 : vector<1024xi1>, vector<1024xf32>
      %select_n3A_524 = arith.select %ne3A_490, %select_n3A_514, %select_n3A_513 : vector<1024xi1>, vector<1024xf32>
      %select_n3A_525 = arith.select %ne3A_490, %select_n3A_516, %select_n3A_515 : vector<1024xi1>, vector<1024xf32>
      %select_n3A_526 = arith.select %ne3A_490, %select_n3A_518, %select_n3A_517 : vector<1024xi1>, vector<1024xf32>
      %select_n3A_527 = arith.select %ne3A_496, %select_n3A_520, %select_n3A_519 : vector<1024xi1>, vector<1024xf32>
      %select_n3A_528 = arith.select %ne3A_496, %select_n3A_522, %select_n3A_521 : vector<1024xi1>, vector<1024xf32>
      %select_n3A_529 = arith.select %ne3A_496, %select_n3A_524, %select_n3A_523 : vector<1024xi1>, vector<1024xf32>
      %select_n3A_530 = arith.select %ne3A_496, %select_n3A_526, %select_n3A_525 : vector<1024xi1>, vector<1024xf32>
      %select_n3A_531 = arith.select %ne3A_502, %select_n3A_528, %select_n3A_527 : vector<1024xi1>, vector<1024xf32>
      %select_n3A_532 = arith.select %ne3A_502, %select_n3A_530, %select_n3A_529 : vector<1024xi1>, vector<1024xf32>
      %mul3A_533 = arith.mulf %select_n3A_532, %mul3A_478 : vector<1024xf32>
      %add3A_534 = arith.addf %select_n3A_531, %mul3A_533 : vector<1024xf32>
      %swap3A_535 = arith.index_cast %add3A_468 : i32 to index
      %swap3A_536 = vector.load %arg6[%swap3A_535] : memref<262144xf32, #tpu.memory_space<vmem>>, vector<1024xf32>
      tpu.vector_store %arg6[%swap3A_535], %add3A_534 {strides = array<i32>} : memref<262144xf32, #tpu.memory_space<vmem>>, vector<1024xf32>,
      %scan3A_537 = arith.constant 6 : i32
      %scan3A_538 = arith.addi %scan3A_100, %scan3A_537 : i32
      %mul3A_539 = arith.constant 1024 : i32
      %mul3A_540 = arith.muli %scan3A_538, %mul3A_539 : i32
      %add3A_541 = arith.constant 0 : i32
      %add3A_542 = arith.addi %add3A_541, %mul3A_540 : i32
      %get3A_543 = arith.index_cast %add3A_542 : i32 to index
      %get3A_544 = vector.load %arg5[%get3A_543] : memref<262144xi32, #tpu.memory_space<vmem>>, vector<1024xi32>
      %get3A_545 = arith.index_cast %add3A_542 : i32 to index
      %get3A_546 = vector.load %arg3[%get3A_545] : memref<262144xf32, #tpu.memory_space<vmem>>, vector<1024xf32>
      %get3A_547 = arith.index_cast %add3A_542 : i32 to index
      %get3A_548 = vector.load %arg4[%get3A_547] : memref<262144xf32, #tpu.memory_space<vmem>>, vector<1024xf32>
      %mul3A_549 = arith.mulf %get3A_546, %get3A_548 : vector<1024xf32>
      %mul3A_550 = arith.constant 0.00238095247 : f32
      %mul3A_551 = vector.broadcast %mul3A_550 : f32 to vector<1024xf32>
      %mul3A_552 = arith.mulf %mul3A_549, %mul3A_551 : vector<1024xf32>
      %and3A_553 = arith.constant 1 : i32
      %and3A_554 = vector.broadcast %and3A_553 : i32 to vector<1024xi32>
      %and3A_555 = arith.andi %get3A_544, %and3A_554 : vector<1024xi32>
      %ne3A_556 = arith.constant 0 : i32
      %ne3A_557 = vector.broadcast %ne3A_556 : i32 to vector<1024xi32>
      %ne3A_558 = arith.cmpi ne, %and3A_555, %ne3A_557 : vector<1024xi32>
      %and3A_559 = arith.constant 2 : i32
      %and3A_560 = vector.broadcast %and3A_559 : i32 to vector<1024xi32>
      %and3A_561 = arith.andi %get3A_544, %and3A_560 : vector<1024xi32>
      %ne3A_562 = arith.constant 0 : i32
      %ne3A_563 = vector.broadcast %ne3A_562 : i32 to vector<1024xi32>
      %ne3A_564 = arith.cmpi ne, %and3A_561, %ne3A_563 : vector<1024xi32>
      %and3A_565 = arith.constant 4 : i32
      %and3A_566 = vector.broadcast %and3A_565 : i32 to vector<1024xi32>
      %and3A_567 = arith.andi %get3A_544, %and3A_566 : vector<1024xi32>
      %ne3A_568 = arith.constant 0 : i32
      %ne3A_569 = vector.broadcast %ne3A_568 : i32 to vector<1024xi32>
      %ne3A_570 = arith.cmpi ne, %and3A_567, %ne3A_569 : vector<1024xi32>
      %and3A_571 = arith.constant 8 : i32
      %and3A_572 = vector.broadcast %and3A_571 : i32 to vector<1024xi32>
      %and3A_573 = arith.andi %get3A_544, %and3A_572 : vector<1024xi32>
      %ne3A_574 = arith.constant 0 : i32
      %ne3A_575 = vector.broadcast %ne3A_574 : i32 to vector<1024xi32>
      %ne3A_576 = arith.cmpi ne, %and3A_573, %ne3A_575 : vector<1024xi32>
      %select_n3A_577 = arith.select %ne3A_558, %broadcast_in_dim3A_5, %broadcast_in_dim3A : vector<1024xi1>, vector<1024xf32>
      %select_n3A_578 = arith.select %ne3A_558, %broadcast_in_dim3A_11, %broadcast_in_dim3A_8 : vector<1024xi1>, vector<1024xf32>
      %select_n3A_579 = arith.select %ne3A_558, %broadcast_in_dim3A_17, %broadcast_in_dim3A_14 : vector<1024xi1>, vector<1024xf32>
      %select_n3A_580 = arith.select %ne3A_558, %broadcast_in_dim3A_23, %broadcast_in_dim3A_20 : vector<1024xi1>, vector<1024xf32>
      %select_n3A_581 = arith.select %ne3A_558, %broadcast_in_dim3A_29, %broadcast_in_dim3A_26 : vector<1024xi1>, vector<1024xf32>
      %select_n3A_582 = arith.select %ne3A_558, %broadcast_in_dim3A_35, %broadcast_in_dim3A_32 : vector<1024xi1>, vector<1024xf32>
      %select_n3A_583 = arith.select %ne3A_558, %broadcast_in_dim3A_41, %broadcast_in_dim3A_38 : vector<1024xi1>, vector<1024xf32>
      %select_n3A_584 = arith.select %ne3A_558, %broadcast_in_dim3A_47, %broadcast_in_dim3A_44 : vector<1024xi1>, vector<1024xf32>
      %select_n3A_585 = arith.select %ne3A_558, %broadcast_in_dim3A_53, %broadcast_in_dim3A_50 : vector<1024xi1>, vector<1024xf32>
      %select_n3A_586 = arith.select %ne3A_558, %broadcast_in_dim3A_59, %broadcast_in_dim3A_56 : vector<1024xi1>, vector<1024xf32>
      %select_n3A_587 = arith.select %ne3A_558, %broadcast_in_dim3A_65, %broadcast_in_dim3A_62 : vector<1024xi1>, vector<1024xf32>
      %select_n3A_588 = arith.select %ne3A_558, %broadcast_in_dim3A_71, %broadcast_in_dim3A_68 : vector<1024xi1>, vector<1024xf32>
      %select_n3A_589 = arith.select %ne3A_558, %broadcast_in_dim3A_77, %broadcast_in_dim3A_74 : vector<1024xi1>, vector<1024xf32>
      %select_n3A_590 = arith.select %ne3A_558, %broadcast_in_dim3A_83, %broadcast_in_dim3A_80 : vector<1024xi1>, vector<1024xf32>
      %select_n3A_591 = arith.select %ne3A_558, %broadcast_in_dim3A_89, %broadcast_in_dim3A_86 : vector<1024xi1>, vector<1024xf32>
      %select_n3A_592 = arith.select %ne3A_558, %broadcast_in_dim3A_95, %broadcast_in_dim3A_92 : vector<1024xi1>, vector<1024xf32>
      %select_n3A_593 = arith.select %ne3A_564, %select_n3A_578, %select_n3A_577 : vector<1024xi1>, vector<1024xf32>
      %select_n3A_594 = arith.select %ne3A_564, %select_n3A_580, %select_n3A_579 : vector<1024xi1>, vector<1024xf32>
      %select_n3A_595 = arith.select %ne3A_564, %select_n3A_582, %select_n3A_581 : vector<1024xi1>, vector<1024xf32>
      %select_n3A_596 = arith.select %ne3A_564, %select_n3A_584, %select_n3A_583 : vector<1024xi1>, vector<1024xf32>
      %select_n3A_597 = arith.select %ne3A_564, %select_n3A_586, %select_n3A_585 : vector<1024xi1>, vector<1024xf32>
      %select_n3A_598 = arith.select %ne3A_564, %select_n3A_588, %select_n3A_587 : vector<1024xi1>, vector<1024xf32>
      %select_n3A_599 = arith.select %ne3A_564, %select_n3A_590, %select_n3A_589 : vector<1024xi1>, vector<1024xf32>
      %select_n3A_600 = arith.select %ne3A_564, %select_n3A_592, %select_n3A_591 : vector<1024xi1>, vector<1024xf32>
      %select_n3A_601 = arith.select %ne3A_570, %select_n3A_594, %select_n3A_593 : vector<1024xi1>, vector<1024xf32>
      %select_n3A_602 = arith.select %ne3A_570, %select_n3A_596, %select_n3A_595 : vector<1024xi1>, vector<1024xf32>
      %select_n3A_603 = arith.select %ne3A_570, %select_n3A_598, %select_n3A_597 : vector<1024xi1>, vector<1024xf32>
      %select_n3A_604 = arith.select %ne3A_570, %select_n3A_600, %select_n3A_599 : vector<1024xi1>, vector<1024xf32>
      %select_n3A_605 = arith.select %ne3A_576, %select_n3A_602, %select_n3A_601 : vector<1024xi1>, vector<1024xf32>
      %select_n3A_606 = arith.select %ne3A_576, %select_n3A_604, %select_n3A_603 : vector<1024xi1>, vector<1024xf32>
      %mul3A_607 = arith.mulf %select_n3A_606, %mul3A_552 : vector<1024xf32>
      %add3A_608 = arith.addf %select_n3A_605, %mul3A_607 : vector<1024xf32>
      %swap3A_609 = arith.index_cast %add3A_542 : i32 to index
      %swap3A_610 = vector.load %arg6[%swap3A_609] : memref<262144xf32, #tpu.memory_space<vmem>>, vector<1024xf32>
      tpu.vector_store %arg6[%swap3A_609], %add3A_608 {strides = array<i32>} : memref<262144xf32, #tpu.memory_space<vmem>>, vector<1024xf32>,
      %scan3A_611 = arith.constant 7 : i32
      %scan3A_612 = arith.addi %scan3A_100, %scan3A_611 : i32
      %mul3A_613 = arith.constant 1024 : i32
      %mul3A_614 = arith.muli %scan3A_612, %mul3A_613 : i32
      %add3A_615 = arith.constant 0 : i32
      %add3A_616 = arith.addi %add3A_615, %mul3A_614 : i32
      %get3A_617 = arith.index_cast %add3A_616 : i32 to index
      %get3A_618 = vector.load %arg5[%get3A_617] : memref<262144xi32, #tpu.memory_space<vmem>>, vector<1024xi32>
      %get3A_619 = arith.index_cast %add3A_616 : i32 to index
      %get3A_620 = vector.load %arg3[%get3A_619] : memref<262144xf32, #tpu.memory_space<vmem>>, vector<1024xf32>
      %get3A_621 = arith.index_cast %add3A_616 : i32 to index
      %get3A_622 = vector.load %arg4[%get3A_621] : memref<262144xf32, #tpu.memory_space<vmem>>, vector<1024xf32>
      %mul3A_623 = arith.mulf %get3A_620, %get3A_622 : vector<1024xf32>
      %mul3A_624 = arith.constant 0.00238095247 : f32
      %mul3A_625 = vector.broadcast %mul3A_624 : f32 to vector<1024xf32>
      %mul3A_626 = arith.mulf %mul3A_623, %mul3A_625 : vector<1024xf32>
      %and3A_627 = arith.constant 1 : i32
      %and3A_628 = vector.broadcast %and3A_627 : i32 to vector<1024xi32>
      %and3A_629 = arith.andi %get3A_618, %and3A_628 : vector<1024xi32>
      %ne3A_630 = arith.constant 0 : i32
      %ne3A_631 = vector.broadcast %ne3A_630 : i32 to vector<1024xi32>
      %ne3A_632 = arith.cmpi ne, %and3A_629, %ne3A_631 : vector<1024xi32>
      %and3A_633 = arith.constant 2 : i32
      %and3A_634 = vector.broadcast %and3A_633 : i32 to vector<1024xi32>
      %and3A_635 = arith.andi %get3A_618, %and3A_634 : vector<1024xi32>
      %ne3A_636 = arith.constant 0 : i32
      %ne3A_637 = vector.broadcast %ne3A_636 : i32 to vector<1024xi32>
      %ne3A_638 = arith.cmpi ne, %and3A_635, %ne3A_637 : vector<1024xi32>
      %and3A_639 = arith.constant 4 : i32
      %and3A_640 = vector.broadcast %and3A_639 : i32 to vector<1024xi32>
      %and3A_641 = arith.andi %get3A_618, %and3A_640 : vector<1024xi32>
      %ne3A_642 = arith.constant 0 : i32
      %ne3A_643 = vector.broadcast %ne3A_642 : i32 to vector<1024xi32>
      %ne3A_644 = arith.cmpi ne, %and3A_641, %ne3A_643 : vector<1024xi32>
      %and3A_645 = arith.constant 8 : i32
      %and3A_646 = vector.broadcast %and3A_645 : i32 to vector<1024xi32>
      %and3A_647 = arith.andi %get3A_618, %and3A_646 : vector<1024xi32>
      %ne3A_648 = arith.constant 0 : i32
      %ne3A_649 = vector.broadcast %ne3A_648 : i32 to vector<1024xi32>
      %ne3A_650 = arith.cmpi ne, %and3A_647, %ne3A_649 : vector<1024xi32>
      %select_n3A_651 = arith.select %ne3A_632, %broadcast_in_dim3A_5, %broadcast_in_dim3A : vector<1024xi1>, vector<1024xf32>
      %select_n3A_652 = arith.select %ne3A_632, %broadcast_in_dim3A_11, %broadcast_in_dim3A_8 : vector<1024xi1>, vector<1024xf32>
      %select_n3A_653 = arith.select %ne3A_632, %broadcast_in_dim3A_17, %broadcast_in_dim3A_14 : vector<1024xi1>, vector<1024xf32>
      %select_n3A_654 = arith.select %ne3A_632, %broadcast_in_dim3A_23, %broadcast_in_dim3A_20 : vector<1024xi1>, vector<1024xf32>
      %select_n3A_655 = arith.select %ne3A_632, %broadcast_in_dim3A_29, %broadcast_in_dim3A_26 : vector<1024xi1>, vector<1024xf32>
      %select_n3A_656 = arith.select %ne3A_632, %broadcast_in_dim3A_35, %broadcast_in_dim3A_32 : vector<1024xi1>, vector<1024xf32>
      %select_n3A_657 = arith.select %ne3A_632, %broadcast_in_dim3A_41, %broadcast_in_dim3A_38 : vector<1024xi1>, vector<1024xf32>
      %select_n3A_658 = arith.select %ne3A_632, %broadcast_in_dim3A_47, %broadcast_in_dim3A_44 : vector<1024xi1>, vector<1024xf32>
      %select_n3A_659 = arith.select %ne3A_632, %broadcast_in_dim3A_53, %broadcast_in_dim3A_50 : vector<1024xi1>, vector<1024xf32>
      %select_n3A_660 = arith.select %ne3A_632, %broadcast_in_dim3A_59, %broadcast_in_dim3A_56 : vector<1024xi1>, vector<1024xf32>
      %select_n3A_661 = arith.select %ne3A_632, %broadcast_in_dim3A_65, %broadcast_in_dim3A_62 : vector<1024xi1>, vector<1024xf32>
      %select_n3A_662 = arith.select %ne3A_632, %broadcast_in_dim3A_71, %broadcast_in_dim3A_68 : vector<1024xi1>, vector<1024xf32>
      %select_n3A_663 = arith.select %ne3A_632, %broadcast_in_dim3A_77, %broadcast_in_dim3A_74 : vector<1024xi1>, vector<1024xf32>
      %select_n3A_664 = arith.select %ne3A_632, %broadcast_in_dim3A_83, %broadcast_in_dim3A_80 : vector<1024xi1>, vector<1024xf32>
      %select_n3A_665 = arith.select %ne3A_632, %broadcast_in_dim3A_89, %broadcast_in_dim3A_86 : vector<1024xi1>, vector<1024xf32>
      %select_n3A_666 = arith.select %ne3A_632, %broadcast_in_dim3A_95, %broadcast_in_dim3A_92 : vector<1024xi1>, vector<1024xf32>
      %select_n3A_667 = arith.select %ne3A_638, %select_n3A_652, %select_n3A_651 : vector<1024xi1>, vector<1024xf32>
      %select_n3A_668 = arith.select %ne3A_638, %select_n3A_654, %select_n3A_653 : vector<1024xi1>, vector<1024xf32>
      %select_n3A_669 = arith.select %ne3A_638, %select_n3A_656, %select_n3A_655 : vector<1024xi1>, vector<1024xf32>
      %select_n3A_670 = arith.select %ne3A_638, %select_n3A_658, %select_n3A_657 : vector<1024xi1>, vector<1024xf32>
      %select_n3A_671 = arith.select %ne3A_638, %select_n3A_660, %select_n3A_659 : vector<1024xi1>, vector<1024xf32>
      %select_n3A_672 = arith.select %ne3A_638, %select_n3A_662, %select_n3A_661 : vector<1024xi1>, vector<1024xf32>
      %select_n3A_673 = arith.select %ne3A_638, %select_n3A_664, %select_n3A_663 : vector<1024xi1>, vector<1024xf32>
      %select_n3A_674 = arith.select %ne3A_638, %select_n3A_666, %select_n3A_665 : vector<1024xi1>, vector<1024xf32>
      %select_n3A_675 = arith.select %ne3A_644, %select_n3A_668, %select_n3A_667 : vector<1024xi1>, vector<1024xf32>
      %select_n3A_676 = arith.select %ne3A_644, %select_n3A_670, %select_n3A_669 : vector<1024xi1>, vector<1024xf32>
      %select_n3A_677 = arith.select %ne3A_644, %select_n3A_672, %select_n3A_671 : vector<1024xi1>, vector<1024xf32>
      %select_n3A_678 = arith.select %ne3A_644, %select_n3A_674, %select_n3A_673 : vector<1024xi1>, vector<1024xf32>
      %select_n3A_679 = arith.select %ne3A_650, %select_n3A_676, %select_n3A_675 : vector<1024xi1>, vector<1024xf32>
      %select_n3A_680 = arith.select %ne3A_650, %select_n3A_678, %select_n3A_677 : vector<1024xi1>, vector<1024xf32>
      %mul3A_681 = arith.mulf %select_n3A_680, %mul3A_626 : vector<1024xf32>
      %add3A_682 = arith.addf %select_n3A_679, %mul3A_681 : vector<1024xf32>
      %swap3A_683 = arith.index_cast %add3A_616 : i32 to index
      %swap3A_684 = vector.load %arg6[%swap3A_683] : memref<262144xf32, #tpu.memory_space<vmem>>, vector<1024xf32>
      tpu.vector_store %arg6[%swap3A_683], %add3A_682 {strides = array<i32>} : memref<262144xf32, #tpu.memory_space<vmem>>, vector<1024xf32>,
    }
    %scan3A_99 = arith.constant 256 : i32
    return
  }
  func.func @transform_0(%arg0: i32) -> i32 {
    %c0_i32 = arith.constant 0 : i32
    %c0_i32_0 = arith.constant 0 : i32
    return %c0_i32 : i32
  }
  func.func @transform_1(%arg0: i32) -> i32 {
    %c0_i32 = arith.constant 0 : i32
    %c0_i32_0 = arith.constant 0 : i32
    return %c0_i32 : i32
  }
  func.func @transform_2(%arg0: i32) -> i32 {
    %c0_i32 = arith.constant 0 : i32
    return %arg0 : i32
  }
  func.func @transform_3(%arg0: i32) -> i32 {
    %c0_i32 = arith.constant 0 : i32
    return %arg0 : i32
  }
  func.func @transform_4(%arg0: i32) -> i32 {
    %c0_i32 = arith.constant 0 : i32
    return %arg0 : i32
  }
  func.func @transform_5(%arg0: i32) -> i32 {
    %c0_i32 = arith.constant 0 : i32
    return %arg0 : i32
  }
}

</mosaic_0001>

<sc_bundles>
// kernel: kernel.4.cloned.1.call-start
scs
__scs_entry_jumppad:
0x0: {  	(pc) =	sbr.rel $0x88, $3  }
0x1: {  	(tag) =	ssettag $0x0;
	lr =	simm.s32 $0x1  }
0x2: {  	[smem:$0x3F9C] =	sst lr;
	_ =	strace $0xD0000000  }
0x3: {  	_ = 	snop  }
0x4: {  	_ = 	snop  }
0x5: {  	_ = 	snop  }
0x6: {  	_ = 	snop  }
0x7: {  	_ = 	snop  }
__scs_overlays_trampoline_lowered:
0x8: {  	[smem:$0x3FAB] =	sst s0  }
0x9: {  	[smem:$0x3FAC] =	sst s1  }
0xa: {  	[smem:$0x3FAD] =	sst s2  }
0xb: {  	[smem:$0x3FAE] =	sst s3  }
0xc: {  	[smem:$0x3FAF] =	sst s4  }
0xd: {  	[smem:$0x3FB0] =	sst s5  }
0xe: {  	[smem:$0x3FB1] =	sst s6  }
0xf: {  	[smem:$0x3FB2] =	sst s7  }
0x10: {  	[smem:$0x3FB3] =	sst s8  }
0x11: {  	[smem:$0x3FB4] =	sst s9;
	s0 =	simm.s32 @!p0 $0x0  }
0x12: {  	s1 =	sld [smem:$0x3F9A];
	s0 =	simm.s32 @p0 $0x1  }
0x13: {  	[smem:$0x3FB5] =	sst s0;
	s0 =	simm.s32 @!p1 $0x0  }
0x14: {  	s2 =	sld [smem:$0x3F99];
	s0 =	simm.s32 @p1 $0x1  }
0x15: {  	[smem:$0x3FB6] =	sst s0;
	s0 =	simm.s32 @!p2 $0x0  }
0x16: {  	s3 =	sld [smem:$0x3FDB];
	s0 =	simm.s32 @p2 $0x1  }
0x17: {  	s4 =	simm.s32 $0x1BF5;
	[smem:$0x3FB8] =	sst s0  }
0x18: {  	s0 =	sld [smem:$0x3F9B];
	_ =	swait.ge [sflag:s4], $0x0  }
0x19: {  	s7 =	sld [smem:$0x3F9C]  }
0x1a: {  	s8 =	sadd.s32 $0xFFFFE003, lr  }
0x1b: {  	s9 =	sadd.s32 $0xFFFFFEF7, lr;
	s5 =	simm.s32 $0xFFFFFFFF;
	p2 =	slt.u32 s8, $0xFFFFF086  }
0x1c: {  	p1 =	slt.u32 s9, $0xF7A;
	s5 =	simm.s32 @!p2 $0x0  }
0x1d: {  	s5 =	simm.s32 @p1 $0x1;
	p0 =	seq.s32 s7, s2  }
0x1e: {  	s7 =	smul.u32 @!p0 $0xF7A, s2;
	p2 =	seq.s32 @!p0 s5, $0x0  }
0x1f: {  	s9 =	smul.u32 $0xF7A, s1;
	s8 =	simm.s32 @!p0 $0x1BF5;
	p2 =	por !p2, p0  }
0x20: {  	[sflag:s8] =	ssyncset.s32 @!p0 $0xFFFFF086;
	s6 =	sadd.s32 @!p0 s3, s7;
	s7 =	simm.s32 @!p0 $0x108  }
0x21: {  	s3 =	sadd.s32 s3, s9;
	s6 =	sadd.s32 @!p0 $0x88, s6;
	s7 =	simm.s32 @p2 $0x1082  }
0x22: {  	[simem:s7], [sflag:s8] =	dma.local @!p0 [hbm:s6], $0xF7A  }
0x23: {  	s9 =	sor.u32 $0xD0000000, s2;
	s6 =	simm.s32 $0x108;
	_ =	swait.ge @!p0 [sflag:s8], $0x0  }
0x24: {  	s3 =	sadd.s32 $0x88, s3;
	s6 =	simm.s32 @!p1 $0x1082;
	[sflag:s4] =	ssyncset.s32 $0xFFFFF086  }
0x25: {  	[simem:s6], [sflag:s4] =	dma.local [hbm:s3], $0xF7A  }
0x26: {  	[smem:$0x3F9C] =	sst s1;
	(tag) =	ssettag s2;
	_ =	strace s9  }
0x27: {  	s1 =	sld [smem:$0x3FAC]  }
0x28: {  	s2 =	sld [smem:$0x3FAD]  }
0x29: {  	s4 =	sld [smem:$0x3FAF]  }
0x2a: {  	p0 =	seq.s32 s5, $0x0;
	s5 =	sld [smem:$0x3FB0]  }
0x2b: {  	s6 =	sld [smem:$0x3FB1]  }
0x2c: {  	s7 =	sld [smem:$0x3FB2]  }
0x2d: {  	s3 =	simm.s32 $0x108;
	s8 =	sld [smem:$0x3FB3]  }
0x2e: {  	s3 =	simm.s32 @!p0 $0x1082;
	s9 =	sld [smem:$0x3FB4]  }
0x2f: {  	lr =	sadd.s32 s0, s3;
	s0 =	sld [smem:$0x3FAB]  }
0x30: {  	s3 =	sld [smem:$0x3FAE]  }
0x31: {  	[smem:$0x3FB7] =	sst s10  }
0x32: {  	s10 =	sld [smem:$0x3FB5];
	_ =	sdelay $0x3  }
0x33: {  	p0 =	seq.s32 s10, $0x1;
	s10 =	sld [smem:$0x3FB7];
	_ =	sdelay $0x3  }
0x34: {  	[smem:$0x3FB7] =	sst s10  }
0x35: {  	s10 =	sld [smem:$0x3FB6];
	_ =	sdelay $0x3  }
0x36: {  	p1 =	seq.s32 s10, $0x1;
	s10 =	sld [smem:$0x3FB7];
	_ =	sdelay $0x3  }
0x37: {  	[smem:$0x3FB7] =	sst s10  }
0x38: {  	s10 =	sld [smem:$0x3FB8]  }
0x39: {  	_ = 	snop;
	(pc) =	sbr.ind lr, $3  }
0x3a: {  	_ = 	snop  }
0x3b: {  	_ = 	snop  }
0x3c: {  	p2 =	seq.s32 s10, $0x1;
	s10 =	sld [smem:$0x3FB7]  }
0x3d: {  	_ =	shalt  }
0x3e: {  	_ =	shalt  }
0x3f: {  	_ =	shalt  }
0x40: {  	_ =	shalt  }
0x41: {  	_ =	shalt  }
0x42: {  	_ =	shalt  }
0x43: {  	_ =	shalt  }
0x44: {  	_ =	shalt  }
0x45: {  	_ =	shalt  }
0x46: {  	_ =	shalt  }
0x47: {  	_ =	shalt  }
0x48: {  	_ =	shalt  }
0x49: {  	_ =	shalt  }
0x4a: {  	_ =	shalt  }
0x4b: {  	_ =	shalt  }
0x4c: {  	_ =	shalt  }
0x4d: {  	_ =	shalt  }
0x4e: {  	_ =	shalt  }
0x4f: {  	_ =	shalt  }
0x50: {  	_ =	shalt  }
0x51: {  	_ =	shalt  }
0x52: {  	_ =	shalt  }
0x53: {  	_ =	shalt  }
0x54: {  	_ =	shalt  }
0x55: {  	_ =	shalt  }
0x56: {  	_ =	shalt  }
0x57: {  	_ =	shalt  }
0x58: {  	_ =	shalt  }
0x59: {  	_ =	shalt  }
0x5a: {  	_ =	shalt  }
0x5b: {  	_ =	shalt  }
0x5c: {  	_ =	shalt  }
0x5d: {  	_ =	shalt  }
0x5e: {  	_ =	shalt  }
0x5f: {  	_ =	shalt  }
0x60: {  	_ =	shalt  }
0x61: {  	_ =	shalt  }
0x62: {  	_ =	shalt  }
0x63: {  	_ =	shalt  }
0x64: {  	_ =	shalt  }
0x65: {  	_ =	shalt  }
0x66: {  	_ =	shalt  }
0x67: {  	_ =	shalt  }
0x68: {  	_ =	shalt  }
0x69: {  	_ =	shalt  }
0x6a: {  	_ =	shalt  }
0x6b: {  	_ =	shalt  }
0x6c: {  	_ =	shalt  }
0x6d: {  	_ =	shalt  }
0x6e: {  	_ =	shalt  }
0x6f: {  	_ =	shalt  }
0x70: {  	_ =	shalt  }
0x71: {  	_ =	shalt  }
0x72: {  	_ =	shalt  }
0x73: {  	_ =	shalt  }
0x74: {  	_ =	shalt  }
0x75: {  	_ =	shalt  }
0x76: {  	_ =	shalt  }
0x77: {  	_ =	shalt  }
0x78: {  	_ =	shalt  }
0x79: {  	_ =	shalt  }
0x7a: {  	_ =	shalt  }
0x7b: {  	_ =	shalt  }
0x7c: {  	_ =	shalt  }
0x7d: {  	_ =	shalt  }
0x7e: {  	_ =	shalt  }
0x7f: {  	_ =	shalt  }
0x80: {  	_ =	shalt  }
0x81: {  	_ =	shalt  }
0x82: {  	_ =	shalt  }
0x83: {  	_ =	shalt  }
0x84: {  	_ =	shalt  }
0x85: {  	_ =	shalt  }
0x86: {  	_ =	shalt  }
0x87: {  	_ =	shalt  }
.Lfunc_end0:
.L_simem_size_0:
called_computation_lowered:
.L_overlay_start_0:
0x88: {  	s2 =	sld [smem:$0x3FD9]  }
0x89: {  	s3 =	sld [smem:$0x3FFE];
	_ =	sdelay $0x1  }
0x8a: {  	s1 =	srdreg.scid  }
0x8b: {  	s0 =	sand.u32 $0x1, s1  }
0x8c: {  	s17 =	sshll.u32 s0, $0xA;
	s2 =	sadd.s32 s3, s2  }
0x8d: {  	s2 =	sadd.s32 s2, s17  }
0x8e: {  	[smem:$0x3FC3] =	sst s2  }
0x8f: {  	_ = 	snop  }
0x90: {  	s2 =	sld [smem:$0x3FC9]  }
0x91: {  	s18 =	sld [smem:$0x3FC8]  }
0x92: {  	s4 =	sld [smem:$0x3FC7]  }
0x93: {  	s5 =	sld [smem:$0x3FC6]  }
0x94: {  	s6 =	sld [smem:$0x3FC5];
	(tm) =	ssettm $0x1  }
0x95: {  	s7 =	sld [smem:$0x3FFB];
	_ =	sdelay $0x3  }
0x96: {  	_ =	strace s7  }
0x97: {  	s7 =	sld [smem:$0x3FFC];
	_ =	sdelay $0x3  }
0x98: {  	_ =	strace s7  }
0x99: {  	s7 =	sld [smem:$0x3FFD];
	_ =	sdelay $0x3  }
0x9a: {  	_ =	strace s7  }
0x9b: {  	_ =	strace $0x8FFFFFFF  }
0x9c: {  	s19 =	sld [smem:$0x3FDB];
	_ =	sdelay $0x1  }
0x9d: {  	s8 =	simm.s32 $_scs_section_size  }
0x9e: {  	s9 =	simm.s32 $_size__tile_overlayer_lowered;
	s10 =	simm.s32 $_tile_overlayer_lowered  }
0x9f: {  	s22 =	simm.s32 $0x1BFF;
	s21 =	sshll.u32 s10, $0x1;
	s7 =	sadd.s32 s8, s19  }
0xa0: {  	s11 =	simm.s32 $0x0;
	s20 =	sshll.u32 s9, $0x1;
	s9 =	sadd.s32 s21, s7  }
0xa1: {  	[timem:s11], [sflag:s22] =	dma.local [hbm:s9], s20  }
0xa2: {  	_ =	swait.ge [sflag:s22], s20  }
0xa3: {  	s8 =	ssub.s32 $0x0, s20;
	[sflag:s22] =	ssyncset.done $0x0  }
0xa4: {  	[sflag:s22] =	ssyncadd.s32 s8;
	_ =	sdelay $0x1  }
0xa5: {  	s23 =	simm.s32 $0x1B8B  }
0xa6: {  	_ =	swait.ge [sflag:s23], $0x1  }
0xa7: {  	[sflag:s23] =	ssyncset.done $0x0  }
0xa8: {  	s25 =	simm.s32 $0x1B8E;
	s24 =	sld [smem:$0x3FFE];
	[sflag:s23] =	ssyncadd.s32 $0xFFFFFFFF  }
0xa9: {  	s26 =	simm.s32 $execute0_lowered;
	[smem:$0x3FD2] =	sst s25  }
0xaa: {  	s9 =	sshll.u32 s26, $0x1;
	_ =	strace $0x80000046;
	[dreg:$0x1] =	wrdreg $0xFFFFFFFF  }
0xab: {  	s28 =	simm.s32 $_size_execute0_lowered;
	s7 =	sadd.s32 s7, s9;
	[dreg:$0x0] =	wrdreg $0x0  }
0xac: {  	s9 =	sshll.u32 s28, $0x1;
	[dreg:$0x2] =	wrdreg s7  }
0xad: {  	[dreg:$0x3] =	wrdreg s9  }
0xae: {  	[dreg:$0x4] =	wrdreg $0xC0  }
0xaf: {  	_ =	task [dreg:s11], $0x5FFFF  }
0xb0: {  	[dreg:$0x1] =	wrdreg $0xFFFFFFFF  }
0xb1: {  	[dreg:$0x0] =	wrdreg $0x60  }
0xb2: {  	[dreg:$0x2] =	wrdreg s2  }
0xb3: {  	[dreg:$0x3] =	wrdreg s18  }
0xb4: {  	[dreg:$0x4] =	wrdreg s4  }
0xb5: {  	[dreg:$0x5] =	wrdreg s5  }
0xb6: {  	[dreg:$0x6] =	wrdreg s6  }
0xb7: {  	[dreg:$0x7] =	wrdreg s24  }
0xb8: {  	[dreg:$0x8] =	wrdreg $0x9  }
0xb9: {  	_ =	task.clear_ibuf [dreg:s11], $0x9FFFF;
	_ =	strace $0x90000046  }
0xba: {  	s29 =	simm.s32 $0x9;
	_ =	strace $0x80000053  }
0xbb: {  	_ =	swait.ge [sflag:s29], $0x1  }
0xbc: {  	[sflag:s29] =	ssyncadd.s32 $0xFFFFFFFF  }
0xbd: {  	_ =	strace $0x90000053  }
0xbe: {  	_ =	sfence  }
0xbf: {  	s30 =	sld [smem:$0x0];
	_ =	sdelay $0x2  }
0xc0: {  	s31 =	sshll.u32 s1, $0xD;
	s1 =	sshrl.u32 s1, $0x2  }
0xc1: {  	s3 =	sand.u32 $0x4000, s31;
	s1 =	sadd.s32 s1, s30  }
0xc2: {  	s0 =	sor.u32 s3, s0;
	s1 =	sshll.u32 s1, $0x11  }
0xc3: {  	s0 =	sor.u32 s1, s0  }
0xc4: {  	s0 =	sadd.s32 $0x8F2B, s0  }
0xc5: {  	[sflag:s0] =	ssyncadd.remote.s32 $0x1  }
0xc6: {  	_ =	sfence.sel $0xFFFF  }
0xc7: {  	[dreg:$0x0] =	wrdreg $0xFFFFFFFF;
	(pc) =	sbr.abs _section_cstart, $3  }
0xc8: {  	[dreg:$0x1] =	wrdreg $0xFFFFFFFF  }
0xc9: {  	_ =	task.clear_ibuf [dreg:s11], $0x2FFFF;
	_ =	strace $0x9FFFFFFF  }
0xca: {  	(tm) =	ssettm $0x7FFFFFFF  }
0xcb: {  	_ =	shalt  }
tec
execute0_lowered:
.L_overlay_start_1:
0x0: {  	(tag) =	ssettag $0x1  }
0x1: {  	s0 =	srdreg.scid  }
0x2: {  	s2 =	rddreg [dreg:$0x2];
	s0 =	sand.u32 $0x1, s0  }
0x3: {  	s3 =	rddreg [dreg:$0x3];
	s5 =	stileid.u32;
	s4 =	sshll.u32 s0, $0x4  }
0x4: {  	s6 =	rddreg [dreg:$0x4];
	s4 =	sor.u32 s5, s4  }
0x5: {  	s1 =	rddreg [dreg:$0x5];
	s0 =	ssub.s32 $0x2, s0;
	s5 =	smul.u32 $0xE000, s4  }
0x6: {  	s7 =	simm.s32 $0x0;
	s15 =	simm.s32 $0x80;
	s28 =	sshrl.u32 s0, $0x1  }
0x7: {  	s19 =	simm.s32 $0x1;
	s0 =	ssub.s32 s0, s28;
	s5 =	sshrl.u32 s5, $0x3  }
0x8: {  	[smem:$0x7FF] =	sst s7;
	s0 =	smax.u32 s0, $0x1;
	s29 =	sadd.s32 $0x48000, s5  }
0x9: {  	_ =	strace $0x80000047;
	[dreg:$0xa] =	wrdreg s0;
	s30 =	sadd.s32 s2, s29  }
0xa: {  	s9 =	smul.u32 $0x7, s4;
	s31 =	sadd.s32 s3, s29;
	[dreg:$0x7] =	wrdreg s30  }
0xb: {  	s8 =	sadd.s32 $0xA00, s1;
	s1 =	sadd.s32 s6, s29;
	[dreg:$0x8] =	wrdreg s31  }
0xc: {  	s21 =	simm.s32 $0x0;
	s13 =	sadd.s32 $0x120, s9;
	[dreg:$0x9] =	wrdreg s1  }
.LBB2_1:
0xd: {  	s0 =	rddreg [dreg:$0x0]  }
0xe: {  	[tilespmem:s7], [sflag:$0x1] =	stream.linear.gather [hbm4b:s0+s7], $0x80, $0x38;
	[tilespmem:$0x10100] =	vst v63  }
0xf: {  	_ =	swait.ge [sflag:s19], $0x80  }
0x10: {  	[sflag:s19] =	ssyncset.done $0x0  }
0x11: {  	[sflag:s19] =	ssyncadd.s32 $0xFFFFFF80  }
0x12: {  	s20 =	rddreg [dreg:$0x1]  }
0x13: {  	[tilespmem:s15], [sflag:$0x1] =	stream.linear.gather [hbm4b:s20+s7], $0x80, $0x38;
	[tilespmem:$0x10100] =	vst v63  }
0x14: {  	_ =	swait.ge [sflag:s19], $0x80  }
0x15: {  	[sflag:s19] =	ssyncset.done $0x0  }
0x16: {  	[sflag:s19] =	ssyncadd.s32 $0xFFFFFF80  }
0x17: {  	v0 =	vld [tilespmem:$0x80];
	_ =	sdelay $0x4  }
0x18: {  	v0 =	vmul.f32 $2.380952470e-03, v0;
	_ =	sdelay $0x1  }
0x19: {  	[tilespmem:$0x80] =	vst v0  }
0x1a: {  	s1 =	simm.s32 $0x100;
	s24 =	simm.s32 $0x4100;
	_ =	strace $0x80000048  }
0x1b: {  	s26 =	simm.s32 $0x8100;
	s5 =	simm.s32 $0x0;
	s22 =	rddreg [dreg:$0x7]  }
0x1c: {  	s28 =	simm.s32 $0x1;
	s29 =	simm.s32 $0x0;
	s23 =	rddreg [dreg:$0x8]  }
0x1d: {  	[tilespmem:s1], [sflag:$0x1] =	stream.linear.gather [hbm4b:s22+s7], $0x2000, $0x200038;
	[tilespmem:$0x10100] =	vst v63  }
0x1e: {  	s30 =	simm.s32 $0x1;
	s31 =	simm.s32 $0x0;
	s25 =	rddreg [dreg:$0x9]  }
0x1f: {  	[tilespmem:s24], [sflag:$0x3] =	stream.linear.gather [hbm4b:s23+s7], $0x2000, $0x200038;
	[tilespmem:$0x10100] =	vst v63  }
0x20: {  	s22 =	simm.s32 $0x0;
	s23 =	simm.s32 $0x0;
	s24 =	simm.s32 $0x0  }
0x21: {  	[tilespmem:s26], [sflag:$0x5] =	stream.linear.gather [hbm4b:s25+s7], $0x2000, $0x200038;
	[tilespmem:$0x10100] =	vst v63  }
0x22: {  	s25 =	simm.s32 $0x1;
	s26 =	simm.s32 $0x0;
	_ =	strace $0x90000048  }
.LBB2_2:
0x23: {  	s4 =	sadd.s32 $0x1, s5  }
0x24: {  	p0 =	seq.s32 s4, $0x7  }
0x25: {  	s4 =	simm.s32 @p0 $0x0;
	p0 =	seq.s32 s31, $0x6  }
0x26: {  	p1 =	seq.s32 @!p0 s5, s4  }
0x27: {  	p2 =	por p1, p0  }
0x28: {  	s0 =	sadd.s32 @!p2 s4, s13  }
0x29: {  	s1 =	sand.u32 @!p2 $0x1, s30;
	_ =	strace @!p2 $0x80000049;
	s0 =	sshll.u32 @!p2 s0, $0xA  }
0x2a: {  	s16 =	simm.s32 @!p2 $0x0;
	s10 =	sshll.u32 @!p2 s1, $0xD;
	s0 =	sand.u32 @!p2 $0x1FFFFC00, s0  }
0x2b: {  	s1 =	sadd.s32 @!p2 $0x1, s1;
	s12 =	sor.u32 @!p2 $0x100, s10;
	s14 =	sadd.s32 @!p2 s2, s0  }
0x2c: {  	[tilespmem:s12], [sflag:s1] =	stream.linear.gather @!p2 [hbm4b:s14+s16], $0x2000, $0x200038;
	[tilespmem:$0x10100] =	vst v63  }
0x2d: {  	s1 =	sand.u32 @!p2 $0x1, s28  }
0x2e: {  	s14 =	sadd.s32 @!p2 s3, s0;
	_ =	strace @!p2 $0x90000049;
	s12 =	sshll.u32 @!p2 s1, $0xD  }
0x2f: {  	s1 =	sadd.s32 @!p2 $0x3, s1;
	_ =	strace @!p2 $0x8000004A;
	s12 =	sor.u32 @!p2 $0x4100, s12  }
0x30: {  	[tilespmem:s12], [sflag:s1] =	stream.linear.gather @!p2 [hbm4b:s14+s16], $0x2000, $0x200038;
	[tilespmem:$0x10100] =	vst v63  }
0x31: {  	s1 =	sand.u32 @!p2 $0x1, s25  }
0x32: {  	s0 =	sadd.s32 @!p2 s6, s0;
	_ =	strace @!p2 $0x9000004A;
	s12 =	sshll.u32 @!p2 s1, $0xD  }
0x33: {  	s1 =	sadd.s32 @!p2 $0x5, s1;
	_ =	strace @!p2 $0x8000004B;
	s12 =	sor.u32 @!p2 $0x8100, s12  }
0x34: {  	[tilespmem:s12], [sflag:s1] =	stream.linear.gather @!p2 [hbm4b:s0+s16], $0x2000, $0x200038;
	[tilespmem:$0x10100] =	vst v63  }
0x35: {  	s0 =	sand.u32 $0x1, s29;
	_ =	strace @!p2 $0x9000004B  }
0x36: {  	s14 =	sadd.s32 $0x1, s0;
	_ =	strace $0x8000004C  }
0x37: {  	_ =	swait.ge [sflag:s14], $0x2000  }
0x38: {  	[sflag:s14] =	ssyncset.done $0x0  }
0x39: {  	[sflag:s14] =	ssyncadd.s32 $0xFFFFE000  }
0x3a: {  	s16 =	sand.u32 $0x1, s26;
	_ =	strace $0x9000004C  }
0x3b: {  	s17 =	sadd.s32 $0x3, s16;
	_ =	strace $0x8000004D  }
0x3c: {  	_ =	swait.ge [sflag:s17], $0x2000  }
0x3d: {  	[sflag:s17] =	ssyncset.done $0x0  }
0x3e: {  	[sflag:s17] =	ssyncadd.s32 $0xFFFFE000  }
0x3f: {  	s18 =	sand.u32 $0x1, s24;
	_ =	strace $0x9000004D  }
0x40: {  	s20 =	sadd.s32 $0x5, s18;
	_ =	strace $0x8000004E  }
0x41: {  	_ =	swait.ge [sflag:s20], $0x2000  }
0x42: {  	[sflag:s20] =	ssyncset.done $0x0  }
0x43: {  	[sflag:s20] =	ssyncadd.s32 $0xFFFFE000  }
0x44: {  	s12 =	sshll.u32 s18, $0xD;
	_ =	strace $0x9000004E  }
0x45: {  	s14 =	sor.u32 $0x8180, s12;
	_ =	strace $0x8000004F  }
0x46: {  	v0 =	vld [tilespmem:s14+$0x70]  }
0x47: {  	v1 =	vld [tilespmem:s14+$0xFFFFFF90]  }
0x48: {  	v2 =	vld [tilespmem:s14+$0xFFFFFFA0]  }
0x49: {  	v3 =	vld [tilespmem:s14+$0xFFFFFFB0]  }
0x4a: {  	s0 =	sshll.u32 s0, $0xD;
	v4 =	vld [tilespmem:s14+$0xFFFFFFC0]  }
0x4b: {  	s1 =	sshll.u32 s16, $0xD;
	s0 =	sor.u32 $0x180, s0;
	v5 =	vld [tilespmem:s14+$0xFFFFFFD0]  }
0x4c: {  	s1 =	sor.u32 $0x4180, s1;
	v6 =	vld [tilespmem:s0+$0x70]  }
0x4d: {  	v7 =	vld [tilespmem:s1+$0x70]  }
0x4e: {  	v9 =	vld [tilespmem:s14+$0xFFFFFFE0]  }
0x4f: {  	v10 =	vld [tilespmem:s14+$0xFFFFFFF0]  }
0x50: {  	v11 =	vld [tilespmem:s14+$0x0]  }
0x51: {  	v12 =	vld [tilespmem:s14+$0x10]  }
0x52: {  	v13 =	vld [tilespmem:s14+$0x20]  }
0x53: {  	v17 =	vld [tilespmem:s14+$0x30]  }
0x54: {  	v18 =	vld [tilespmem:s14+$0x40]  }
0x55: {  	v20 =	vld [tilespmem:s14+$0x50]  }
0x56: {  	v21 =	vld [tilespmem:s14+$0x60]  }
0x57: {  	v14 =	vld [tilespmem:s14+$0xFFFFFF80]  }
0x58: {  	v15 =	vld [tilespmem:s0+$0xFFFFFF80]  }
0x59: {  	v16 =	vld [tilespmem:s1+$0xFFFFFF80]  }
0x5a: {  	v19 =	vld [tilespmem:s0+$0xFFFFFF90]  }
0x5b: {  	v22 =	vld [tilespmem:s1+$0xFFFFFF90]  }
0x5c: {  	v23 =	vld [tilespmem:s0+$0xFFFFFFA0]  }
0x5d: {  	v24 =	vld [tilespmem:s1+$0xFFFFFFA0]  }
0x5e: {  	v25 =	vld [tilespmem:s0+$0xFFFFFFB0]  }
0x5f: {  	v26 =	vld [tilespmem:s1+$0xFFFFFFB0]  }
0x60: {  	v27 =	vld [tilespmem:s0+$0xFFFFFFC0]  }
0x61: {  	v28 =	vld [tilespmem:s1+$0xFFFFFFC0]  }
0x62: {  	v29 =	vld [tilespmem:s0+$0xFFFFFFD0]  }
0x63: {  	v30 =	vld [tilespmem:s1+$0xFFFFFFD0]  }
0x64: {  	v31 =	vld [tilespmem:s0+$0xFFFFFFE0]  }
0x65: {  	v32 =	vld [tilespmem:s1+$0xFFFFFFE0]  }
0x66: {  	v33 =	vld [tilespmem:s0+$0xFFFFFFF0]  }
0x67: {  	v34 =	vld [tilespmem:s1+$0xFFFFFFF0]  }
0x68: {  	v35 =	vld [tilespmem:s0+$0x0]  }
0x69: {  	v36 =	vld [tilespmem:s1+$0x0]  }
0x6a: {  	v37 =	vld [tilespmem:s0+$0x10]  }
0x6b: {  	v38 =	vld [tilespmem:s1+$0x10]  }
0x6c: {  	v39 =	vld [tilespmem:s0+$0x20]  }
0x6d: {  	v40 =	vld [tilespmem:s1+$0x20]  }
0x6e: {  	v41 =	vld [tilespmem:s0+$0x30]  }
0x6f: {  	v42 =	vld [tilespmem:s1+$0x30]  }
0x70: {  	v43 =	vld [tilespmem:s0+$0x40]  }
0x71: {  	v44 =	vld [tilespmem:s1+$0x40]  }
0x72: {  	v45 =	vld [tilespmem:s0+$0x50]  }
0x73: {  	v46 =	vld [tilespmem:s1+$0x50]  }
0x74: {  	v47 =	vld [tilespmem:s0+$0x60]  }
0x75: {  	v48 =	vld [tilespmem:s1+$0x60]  }
0x76: {  	v8 =	vld.idx.msk [tilespmem:v0+s15+$0x0], $0xffff  }
0x77: {  	v0 =	vld.idx.msk [tilespmem:v0+s7+$0x0], $0xffff  }
0x78: {  	v49 =	vld.idx.msk [tilespmem:v14+s15+$0x0], $0xffff  }
0x79: {  	v50 =	vld.idx.msk [tilespmem:v1+s15+$0x0], $0xffff  }
0x7a: {  	v51 =	vld.idx.msk [tilespmem:v2+s15+$0x0], $0xffff  }
0x7b: {  	v52 =	vld.idx.msk [tilespmem:v3+s15+$0x0], $0xffff  }
0x7c: {  	v53 =	vld.idx.msk [tilespmem:v4+s15+$0x0], $0xffff  }
0x7d: {  	v54 =	vld.idx.msk [tilespmem:v5+s15+$0x0], $0xffff  }
0x7e: {  	v55 =	vld.idx.msk [tilespmem:v9+s15+$0x0], $0xffff  }
0x7f: {  	v56 =	vld.idx.msk [tilespmem:v10+s15+$0x0], $0xffff  }
0x80: {  	v57 =	vld.idx.msk [tilespmem:v11+s15+$0x0], $0xffff  }
0x81: {  	v6 =	vmul.f32 v7, v6;
	v7 =	vld.idx.msk [tilespmem:v12+s15+$0x0], $0xffff  }
0x82: {  	v58 =	vld.idx.msk [tilespmem:v13+s15+$0x0], $0xffff  }
0x83: {  	v59 =	vmul.f32 v26, v25;
	v60 =	vmul.f32 v28, v27;
	v25 =	vld.idx.msk [tilespmem:v20+s15+$0x0], $0xffff  }
0x84: {  	v61 =	vmul.f32 v30, v29;
	v62 =	vmul.f32 v32, v31;
	v28 =	vld.idx.msk [tilespmem:v21+s15+$0x0], $0xffff  }
0x85: {  	v63 =	vmul.f32 v34, v33;
	v36 =	vmul.f32 v36, v35;
	v14 =	vld.idx.msk [tilespmem:v14+s7+$0x0], $0xffff  }
0x86: {  	v38 =	vmul.f32 v38, v37;
	v40 =	vmul.f32 v40, v39;
	v1 =	vld.idx.msk [tilespmem:v1+s7+$0x0], $0xffff  }
0x87: {  	v42 =	vmul.f32 v42, v41;
	v44 =	vmul.f32 v44, v43;
	v2 =	vld.idx.msk [tilespmem:v2+s7+$0x0], $0xffff  }
0x88: {  	v48 =	vmul.f32 v48, v47;
	v3 =	vld.idx.msk [tilespmem:v3+s7+$0x0], $0xffff;
	v6 =	vmul.f32 v6, v8  }
0x89: {  	s16 =	sand.u32 $0x1, s23;
	v4 =	vld.idx.msk [tilespmem:v4+s7+$0x0], $0xffff;
	v8 =	vmul.f32 v16, v15;
	v15 =	vmul.f32 v22, v19  }
0x8a: {  	s12 =	sshll.u32 s16, $0xD;
	v5 =	vld.idx.msk [tilespmem:v5+s7+$0x0], $0xffff;
	v19 =	vmul.f32 v24, v23;
	v0 =	vadd.f32 v6, v0;
	v6 =	vmul.f32 v46, v45  }
0x8b: {  	s17 =	sor.u32 $0xC180, s12;
	v9 =	vld.idx.msk [tilespmem:v9+s7+$0x0], $0xffff;
	v8 =	vmul.f32 v8, v49;
	v15 =	vmul.f32 v15, v50  }
0x8c: {  	v10 =	vld.idx.msk [tilespmem:v10+s7+$0x0], $0xffff;
	[tilespmem:s17+$0x70] =	vst v0;
	v0 =	vmul.f32 v19, v51;
	v19 =	vmul.f32 v59, v52  }
0x8d: {  	v16 =	vld.idx.msk [tilespmem:v17+s15+$0x0], $0xffff;
	v59 =	vmul.f32 v60, v53;
	v60 =	vmul.f32 v61, v54;
	v8 =	vadd.f32 v8, v14  }
0x8e: {  	v22 =	vld.idx.msk [tilespmem:v18+s15+$0x0], $0xffff;
	v61 =	vmul.f32 v62, v55;
	v62 =	vmul.f32 v63, v56;
	v1 =	vadd.f32 v15, v1  }
0x8f: {  	v63 =	vmul.f32 v36, v57;
	[tilespmem:s17+$0xFFFFFF80] =	vst v8;
	v2 =	vadd.f32 v0, v2;
	v8 =	vld.idx.msk [tilespmem:v11+s7+$0x0], $0xffff  }
0x90: {  	p1 =	por !p1, p0;
	s18 =	sadd.s32 @!p2 $0x1, s30;
	v14 =	vmul.f32 v38, v7;
	[tilespmem:s17+$0xFFFFFF90] =	vst v1;
	v3 =	vadd.f32 v19, v3;
	v0 =	vld.idx.msk [tilespmem:v12+s7+$0x0], $0xffff  }
0x91: {  	s11 =	smov.u32 s30;
	s30 =	smov.u32 @p1 s18;
	s18 =	simm.s32 $0x0;
	v15 =	vmul.f32 v40, v58;
	v4 =	vadd.f32 v59, v4;
	v1 =	vld.idx.msk [tilespmem:v13+s7+$0x0], $0xffff;
	[tilespmem:s17+$0xFFFFFFA0] =	vst v2  }
0x92: {  	s10 =	smov.u32 s28;
	s18 =	simm.s32 @p1 $0x1;
	v16 =	vmul.f32 v42, v16;
	v5 =	vadd.f32 v60, v5;
	[tilespmem:s17+$0xFFFFFFB0] =	vst v3;
	v2 =	vld.idx.msk [tilespmem:v17+s7+$0x0], $0xffff  }
0x93: {  	s30 =	smov.u32 @p0 s11;
	s18 =	simm.s32 @p0 $0x0;
	s20 =	sadd.s32 @!p2 $0x1, s28;
	v9 =	vadd.f32 v61, v9;
	v19 =	vmul.f32 v6, v25;
	[tilespmem:s17+$0xFFFFFFC0] =	vst v4;
	v3 =	vld.idx.msk [tilespmem:v18+s7+$0x0], $0xffff  }
0x94: {  	s11 =	sor.u32 $0xC100, s12;
	s12 =	simm.s32 $0x0;
	s28 =	smov.u32 @p1 s20;
	v7 =	vadd.f32 v62, v10;
	v17 =	vmul.f32 v44, v22;
	[tilespmem:s17+$0xFFFFFFD0] =	vst v5;
	v4 =	vld.idx.msk [tilespmem:v20+s7+$0x0], $0xffff  }
0x95: {  	s28 =	smov.u32 @p0 s10;
	s10 =	sadd.s32 s9, s5;
	s14 =	sadd.s32 $0x100, s14;
	v18 =	vmul.f32 v48, v28;
	[tilespmem:s17+$0xFFFFFFE0] =	vst v9;
	v5 =	vld.idx.msk [tilespmem:v21+s7+$0x0], $0xffff;
	v6 =	vadd.f32 v63, v8  }
.LBB2_3:
0x96: {  	v8 =	vld [tilespmem:s14+$0x70];
	s12 =	sadd.s32 $0x100, s12;
	[tilespmem:s17+$0xFFFFFFF0] =	vst v7;
	v7 =	vadd.f32 v14, v0  }
0x97: {  	v0 =	vld [tilespmem:s14+$0xFFFFFF90];
	p1 =	slt.u32 s12, $0x1F00;
	[tilespmem:s17+$0x0] =	vst v6;
	v6 =	vadd.f32 v15, v1  }
0x98: {  	v1 =	vld [tilespmem:s14+$0xFFFFFFA0];
	[tilespmem:s17+$0x10] =	vst v7;
	v7 =	vadd.f32 v16, v2  }
0x99: {  	v2 =	vld [tilespmem:s14+$0xFFFFFFB0];
	[tilespmem:s17+$0x20] =	vst v6;
	v6 =	vadd.f32 v17, v3  }
0x9a: {  	v3 =	vld [tilespmem:s14+$0xFFFFFFC0];
	[tilespmem:s17+$0x30] =	vst v7;
	v7 =	vadd.f32 v19, v4  }
0x9b: {  	s0 =	sadd.s32 $0x100, s0;
	v5 =	vadd.f32 v18, v5;
	v4 =	vld [tilespmem:s14+$0xFFFFFFD0];
	[tilespmem:s17+$0x40] =	vst v6  }
0x9c: {  	s1 =	sadd.s32 $0x100, s1;
	v6 =	vld [tilespmem:s0+$0x70];
	[tilespmem:s17+$0x50] =	vst v7  }
0x9d: {  	v7 =	vld [tilespmem:s1+$0x70];
	[tilespmem:s17+$0x60] =	vst v5  }
0x9e: {  	v5 =	vld.idx.msk [tilespmem:v8+s15+$0x0], $0xffff  }
0x9f: {  	v12 =	vld [tilespmem:s14+$0xFFFFFFE0]  }
0xa0: {  	v14 =	vld.idx.msk [tilespmem:v8+s7+$0x0], $0xffff  }
0xa1: {  	v13 =	vld [tilespmem:s14+$0xFFFFFFF0]  }
0xa2: {  	v11 =	vld [tilespmem:s14+$0x0];
	v6 =	vmul.f32 v7, v6  }
0xa3: {  	v10 =	vld [tilespmem:s14+$0x10]  }
0xa4: {  	v9 =	vld [tilespmem:s14+$0x20];
	v5 =	vmul.f32 v6, v5  }
0xa5: {  	v8 =	vld [tilespmem:s14+$0x30]  }
0xa6: {  	v7 =	vld [tilespmem:s14+$0x40];
	v14 =	vadd.f32 v5, v14  }
0xa7: {  	s17 =	sadd.s32 $0x100, s17;
	v6 =	vld [tilespmem:s14+$0x50]  }
0xa8: {  	v5 =	vld [tilespmem:s14+$0x60];
	[tilespmem:s17+$0x70] =	vst v14  }
0xa9: {  	v14 =	vld [tilespmem:s14+$0xFFFFFF80]  }
0xaa: {  	v15 =	vld [tilespmem:s0+$0xFFFFFF80]  }
0xab: {  	v16 =	vld [tilespmem:s1+$0xFFFFFF80]  }
0xac: {  	v17 =	vld [tilespmem:s0+$0xFFFFFF90]  }
0xad: {  	v18 =	vld [tilespmem:s1+$0xFFFFFF90]  }
0xae: {  	v19 =	vld [tilespmem:s0+$0xFFFFFFA0]  }
0xaf: {  	v20 =	vld [tilespmem:s1+$0xFFFFFFA0]  }
0xb0: {  	v15 =	vmul.f32 v16, v15;
	v16 =	vld [tilespmem:s0+$0xFFFFFFB0]  }
0xb1: {  	v21 =	vld [tilespmem:s1+$0xFFFFFFB0]  }
0xb2: {  	v17 =	vmul.f32 v18, v17;
	v18 =	vld [tilespmem:s0+$0xFFFFFFC0]  }
0xb3: {  	v22 =	vld [tilespmem:s1+$0xFFFFFFC0]  }
0xb4: {  	v19 =	vmul.f32 v20, v19;
	v20 =	vld [tilespmem:s0+$0xFFFFFFD0]  }
0xb5: {  	v23 =	vld [tilespmem:s1+$0xFFFFFFD0]  }
0xb6: {  	v16 =	vmul.f32 v21, v16;
	v21 =	vld [tilespmem:s0+$0xFFFFFFE0]  }
0xb7: {  	v24 =	vld [tilespmem:s1+$0xFFFFFFE0]  }
0xb8: {  	v18 =	vmul.f32 v22, v18;
	v22 =	vld [tilespmem:s0+$0xFFFFFFF0]  }
0xb9: {  	v25 =	vld [tilespmem:s1+$0xFFFFFFF0]  }
0xba: {  	v20 =	vmul.f32 v23, v20;
	v23 =	vld [tilespmem:s0+$0x0]  }
0xbb: {  	v26 =	vld [tilespmem:s1+$0x0]  }
0xbc: {  	v21 =	vmul.f32 v24, v21;
	v24 =	vld [tilespmem:s0+$0x10]  }
0xbd: {  	v27 =	vld [tilespmem:s1+$0x10]  }
0xbe: {  	v22 =	vmul.f32 v25, v22;
	v25 =	vld [tilespmem:s0+$0x20]  }
0xbf: {  	v28 =	vld [tilespmem:s1+$0x20]  }
0xc0: {  	v23 =	vmul.f32 v26, v23;
	v26 =	vld [tilespmem:s0+$0x30]  }
0xc1: {  	v29 =	vld [tilespmem:s1+$0x30]  }
0xc2: {  	v24 =	vmul.f32 v27, v24;
	v27 =	vld [tilespmem:s0+$0x40]  }
0xc3: {  	v30 =	vld [tilespmem:s1+$0x40]  }
0xc4: {  	v25 =	vmul.f32 v28, v25;
	v28 =	vld [tilespmem:s0+$0x50]  }
0xc5: {  	v31 =	vld [tilespmem:s1+$0x50]  }
0xc6: {  	v26 =	vmul.f32 v29, v26;
	v29 =	vld [tilespmem:s0+$0x60]  }
0xc7: {  	v32 =	vld [tilespmem:s1+$0x60]  }
0xc8: {  	v33 =	vld.idx.msk [tilespmem:v14+s15+$0x0], $0xffff;
	v27 =	vmul.f32 v30, v27  }
0xc9: {  	v30 =	vld.idx.msk [tilespmem:v0+s15+$0x0], $0xffff  }
0xca: {  	v34 =	vld.idx.msk [tilespmem:v1+s15+$0x0], $0xffff;
	v28 =	vmul.f32 v31, v28  }
0xcb: {  	v31 =	vld.idx.msk [tilespmem:v2+s15+$0x0], $0xffff  }
0xcc: {  	v35 =	vld.idx.msk [tilespmem:v3+s15+$0x0], $0xffff;
	v29 =	vmul.f32 v32, v29  }
0xcd: {  	v32 =	vld.idx.msk [tilespmem:v4+s15+$0x0], $0xffff  }
0xce: {  	v33 =	vmul.f32 v15, v33;
	v15 =	vld.idx.msk [tilespmem:v12+s15+$0x0], $0xffff  }
0xcf: {  	v30 =	vmul.f32 v17, v30;
	v17 =	vld.idx.msk [tilespmem:v13+s15+$0x0], $0xffff  }
0xd0: {  	v34 =	vmul.f32 v19, v34;
	v19 =	vld.idx.msk [tilespmem:v11+s15+$0x0], $0xffff  }
0xd1: {  	v31 =	vmul.f32 v16, v31;
	v16 =	vld.idx.msk [tilespmem:v10+s15+$0x0], $0xffff  }
0xd2: {  	v35 =	vmul.f32 v18, v35;
	v18 =	vld.idx.msk [tilespmem:v9+s15+$0x0], $0xffff  }
0xd3: {  	v20 =	vmul.f32 v20, v32;
	v32 =	vld.idx.msk [tilespmem:v8+s15+$0x0], $0xffff  }
0xd4: {  	v21 =	vmul.f32 v21, v15;
	v36 =	vld.idx.msk [tilespmem:v7+s15+$0x0], $0xffff  }
0xd5: {  	v22 =	vmul.f32 v22, v17;
	v37 =	vld.idx.msk [tilespmem:v6+s15+$0x0], $0xffff  }
0xd6: {  	v23 =	vmul.f32 v23, v19;
	v38 =	vld.idx.msk [tilespmem:v5+s15+$0x0], $0xffff  }
0xd7: {  	v39 =	vld.idx.msk [tilespmem:v14+s7+$0x0], $0xffff;
	v14 =	vmul.f32 v24, v16  }
0xd8: {  	v15 =	vmul.f32 v25, v18;
	v0 =	vld.idx.msk [tilespmem:v0+s7+$0x0], $0xffff  }
0xd9: {  	v16 =	vmul.f32 v26, v32;
	v1 =	vld.idx.msk [tilespmem:v1+s7+$0x0], $0xffff  }
0xda: {  	v17 =	vmul.f32 v27, v36;
	v2 =	vld.idx.msk [tilespmem:v2+s7+$0x0], $0xffff  }
0xdb: {  	v19 =	vmul.f32 v28, v37;
	v3 =	vld.idx.msk [tilespmem:v3+s7+$0x0], $0xffff  }
0xdc: {  	v18 =	vmul.f32 v29, v38;
	v4 =	vld.idx.msk [tilespmem:v4+s7+$0x0], $0xffff  }
0xdd: {  	v24 =	vadd.f32 v33, v39;
	v12 =	vld.idx.msk [tilespmem:v12+s7+$0x0], $0xffff  }
0xde: {  	v0 =	vadd.f32 v30, v0;
	v13 =	vld.idx.msk [tilespmem:v13+s7+$0x0], $0xffff  }
0xdf: {  	v1 =	vadd.f32 v34, v1;
	[tilespmem:s17+$0xFFFFFF80] =	vst v24;
	v11 =	vld.idx.msk [tilespmem:v11+s7+$0x0], $0xffff  }
0xe0: {  	v2 =	vadd.f32 v31, v2;
	[tilespmem:s17+$0xFFFFFF90] =	vst v0;
	v0 =	vld.idx.msk [tilespmem:v10+s7+$0x0], $0xffff  }
.Ltmp0:
0xe1: {  	v3 =	vadd.f32 v35, v3;
	[tilespmem:s17+$0xFFFFFFA0] =	vst v1;
	v1 =	vld.idx.msk [tilespmem:v9+s7+$0x0], $0xffff;
	(pc) =	sbr.rel @p1 .LBB2_3-.Ltmp0, $4  }
0xe2: {  	v4 =	vadd.f32 v20, v4;
	[tilespmem:s17+$0xFFFFFFB0] =	vst v2;
	v2 =	vld.idx.msk [tilespmem:v8+s7+$0x0], $0xffff  }
0xe3: {  	v8 =	vadd.f32 v21, v12;
	[tilespmem:s17+$0xFFFFFFC0] =	vst v3;
	v3 =	vld.idx.msk [tilespmem:v7+s7+$0x0], $0xffff  }
0xe4: {  	v7 =	vadd.f32 v22, v13;
	[tilespmem:s17+$0xFFFFFFD0] =	vst v4;
	v4 =	vld.idx.msk [tilespmem:v6+s7+$0x0], $0xffff  }
0xe5: {  	s14 =	sadd.s32 $0x100, s14;
	v6 =	vadd.f32 v23, v11;
	[tilespmem:s17+$0xFFFFFFE0] =	vst v8;
	v5 =	vld.idx.msk [tilespmem:v5+s7+$0x0], $0xffff  }
0xe6: {  	[tilespmem:s17+$0xFFFFFFF0] =	vst v7;
	v0 =	vadd.f32 v14, v0  }
0xe7: {  	v1 =	vadd.f32 v15, v1;
	[tilespmem:s17+$0x0] =	vst v6  }
0xe8: {  	v60 =	vadd.f32 v16, v2;
	[tilespmem:s17+$0x10] =	vst v0  }
0xe9: {  	[tilespmem:s17+$0x20] =	vst v1;
	v61 =	vadd.f32 v17, v3  }
0xea: {  	[tilespmem:s17+$0x30] =	vst v60;
	v62 =	vadd.f32 v19, v4  }
0xeb: {  	p1 =	sne.s32 s5, s4;
	[tilespmem:s17+$0x40] =	vst v61;
	v63 =	vadd.f32 v18, v5  }
0xec: {  	p1 =	por p0, p1;
	[tilespmem:s17+$0x50] =	vst v62  }
0xed: {  	p0 =	seq.s32 s31, $0x0;
	s0 =	sshll.u32 @p1 s10, $0xA;
	[tilespmem:s17+$0x60] =	vst v63  }
0xee: {  	s1 =	sadd.s32 @p1 $0x7, s16;
	s0 =	sand.u32 @p1 $0x1FFFFC00, s0;
	_ =	strace $0x9000004F  }
0xef: {  	s5 =	simm.s32 @p1 $0x0;
	s0 =	sadd.s32 @p1 s8, s0;
	_ =	strace @p1 $0x80000050  }
0xf0: {  	[hbm4b:s0+s5] =	stream.linear.scatter @p1 [tilespmem:s11], [sflag:s1], $0x2000, $0x200038;
	[tilespmem:$0x10100] =	vst v63  }
0xf1: {  	s1 =	sand.u32 @!p0 $0x1, s22;
	_ =	strace @p1 $0x90000050  }
0xf2: {  	s1 =	sadd.s32 @!p0 $0x7, s1;
	_ =	strace @!p0 $0x80000051  }
0xf3: {  	s0 =	simm.s32 $0x1;
	_ =	swait.ge @!p0 [sflag:s1], $0x2000  }
0xf4: {  	s0 =	simm.s32 @!p1 $0x0;
	[sflag:s1] =	ssyncset.done @!p0 $0x0  }
0xf5: {  	p1 =	sne.s32 s31, $0x0;
	s31 =	sadd.s32 $0x1, s31;
	[sflag:s1] =	ssyncadd.s32 @!p0 $0xFFFFE000  }
0xf6: {  	_ =	strace @!p0 $0x90000051;
	p0 =	sne.s32 s31, $0x7  }
.Ltmp1:
0xf7: {  	_ = 	snop;
	(pc) =	sbr.rel @p0 .LBB2_2-.Ltmp1, $4  }
0xf8: {  	_ = 	snop  }
0xf9: {  	s25 =	sadd.s32 s25, s18;
	s5 =	simm.s32 $0x1;
	s23 =	sadd.s32 s0, s23  }
0xfa: {  	s5 =	simm.s32 @!p1 $0x0;
	s29 =	sadd.s32 s0, s29;
	s26 =	sadd.s32 s0, s26  }
0xfb: {  	s24 =	sadd.s32 s0, s24;
	s22 =	sadd.s32 s5, s22;
	s5 =	smov.u32 s4  }
0xfc: {  	_ =	strace $0x80000052;
	s0 =	simm.s32 $0x7  }
0xfd: {  	_ =	swait.ge [sflag:s0], $0x2000  }
0xfe: {  	s21 =	sadd.s32 $0x1, s21;
	s31 =	rddreg [dreg:$0xa]  }
0xff: {  	p0 =	sne.s32 s21, s31  }
.Ltmp2:
0x100: {  	_ = 	snop;
	(pc) =	sbr.rel @p0 .LBB2_1-.Ltmp2, $4  }
0x101: {  	_ = 	snop  }
0x102: {  	[sflag:s0] =	ssyncset.done $0x0  }
0x103: {  	[sflag:s0] =	ssyncadd.s32 $0xFFFFE000  }
0x104: {  	_ =	strace $0x90000052  }
0x105: {  	_ =	sfence.sel $0x180000  }
0x106: {  	[bflag:$0x0] =	sbarrier.arrive $0xFFFF  }
0x107: {  	_ =	strace $0x90000047  }
0x108: {  	s0 =	stileid.u32;
	[bflag:$0x2] =	sbarrier.arrive $0xFFFF  }
0x109: {  	p0 =	sne.s32 s0, $0x0;
	s0 =	rddreg [dreg:$0x6]  }
0x10a: {  	s0 =	sadd.s32 @!p0 $0x100000, s0  }
0x10b: {  	[sflag:s0] =	ssyncadd.tile.s32 @!p0 $0x1;
	_ =	shalt  }
.Lfunc_end2:
_tile_overlayer_lowered:
.L_overlay_start_2:
0x10c: {  	(tag) =	ssettag $0x2  }
0x10d: {  	s0 =	rddreg [dreg:$0x0];
	s2 =	stileid.u32  }
0x10e: {  	s1 =	rddreg [dreg:$0x1];
	p0 =	sne.s32 s2, $0x0  }
0x10f: {  	s3 =	rddreg [dreg:$0x2];
	[bflag:$0x3] =	sbarrier.arrive $0xFFFF;
	s2 =	simm.s32 @!p0 $0x1C01  }
0x110: {  	[timem:s3], [sflag:s2] =	dma.local @!p0 [hbm:s0], s1  }
0x111: {  	s0 =	simm.s32 @!p0 $0x1  }
0x112: {  	_ =	swait.ge @!p0 [sflag:s0], s1  }
0x113: {  	s1 =	ssub.s32 @!p0 $0x0, s1;
	[sflag:s0] =	ssyncset.done @!p0 $0x0  }
0x114: {  	[sflag:s0] =	ssyncadd.s32 @!p0 s1  }
0x115: {  	[bflag:$0x3] =	sbarrier.arrive $0xFFFF  }
0x116: {  	_ =	shalt  }

</sc_bundles>
